<compile_context>
chip_gen: v7x
topology: tpu7x:2x2x1
jax: 0.10.2.dev20260603
libtpu: 0.0.44.dev20260713+nightly
codegen_flags: <defaults>
</compile_context>

<pallas_src>
import functools

import jax
import jax.numpy as jnp
from jax.experimental import pallas as pl
from jax.experimental.pallas import tpu as pltpu

N = 8192
D = 64
KSEL = 64
ALPHA = 3.0
RBLK = 128
NBLK = N // RBLK
CH = 64
LW = N // CH


def _nv_kernel(e1_ref, e2_ref, w1_ref, b1_ref, w2_ref, b2_ref, o1_ref, o2_ref):
    dn = (((1,), (1,)), ((), ()))
    x1 = jax.lax.dot_general(e1_ref[...], w1_ref[...], dn,
                             preferred_element_type=jnp.float32)
    o1_ref[...] = jnp.tanh(ALPHA * (x1 + b1_ref[...]))
    x2 = jax.lax.dot_general(e2_ref[...], w2_ref[...], dn,
                             preferred_element_type=jnp.float32)
    o2_ref[...] = jnp.tanh(ALPHA * (x2 + b2_ref[...]))


def _adj_kernel(nv1b_ref, nv2b_ref, nv1_ref, nv2_ref, noise_ref, out_ref):
    dn = (((1,), (1,)), ((), ()))
    a = jax.lax.dot_general(nv1b_ref[...], nv2_ref[...], dn,
                            preferred_element_type=jnp.float32)
    a -= jax.lax.dot_general(nv2b_ref[...], nv1_ref[...], dn,
                             preferred_element_type=jnp.float32)
    adj = jnp.maximum(jnp.tanh(ALPHA * a), 0.0)
    v = adj + noise_ref[...]
    bits = jax.lax.bitcast_convert_type(v, jnp.int32)

    kf = float(KSEL)

    def body(_, carry):
        lo, hi = carry
        mid = jax.lax.shift_right_logical(lo + hi, 1)
        c = jnp.sum(jnp.where(bits >= mid, 1.0, 0.0), axis=1, keepdims=True)
        ge = c >= kf
        return jnp.where(ge, mid, lo), jnp.where(ge, hi, mid)

    lo0 = jnp.zeros((RBLK, 1), jnp.int32)
    hi0 = jnp.full((RBLK, 1), 1 << 30, jnp.int32)
    t, _ = jax.lax.fori_loop(0, 30, body, (lo0, hi0), unroll=True)

    gt = bits > t
    c_gt = jnp.sum(jnp.where(gt, 1.0, 0.0), axis=1, keepdims=True)
    rrem = kf - c_gt
    tie = bits == t
    tie_f = jnp.where(tie, 1.0, 0.0)

    t2 = tie_f.reshape(RBLK * CH, LW)
    jj = jax.lax.broadcasted_iota(jnp.int32, (LW, LW), 0)
    kk = jax.lax.broadcasted_iota(jnp.int32, (LW, LW), 1)
    upper = jnp.where(jj < kk, 1.0, 0.0)
    within = jnp.dot(t2, upper, preferred_element_type=jnp.float32)
    within3 = within.reshape(RBLK, CH, LW)
    ctot = within3[:, :, LW - 1] + tie_f.reshape(RBLK, CH, LW)[:, :, LW - 1]
    jj2 = jax.lax.broadcasted_iota(jnp.int32, (CH, CH), 0)
    kk2 = jax.lax.broadcasted_iota(jnp.int32, (CH, CH), 1)
    upper2 = jnp.where(jj2 < kk2, 1.0, 0.0)
    offs = jnp.dot(ctot, upper2, preferred_element_type=jnp.float32)
    prefix = (within3 + offs[:, :, None]).reshape(RBLK, N)

    mask = gt | (tie & (prefix < rrem))
    out_ref[...] = jnp.where(mask, adj, 0.0)


def _compute_nv(nodevec1, nodevec2, W1, b1, W2, b2):
    return pl.pallas_call(
        _nv_kernel,
        out_shape=(jax.ShapeDtypeStruct((N, D), jnp.float32),
                   jax.ShapeDtypeStruct((N, D), jnp.float32)),
    )(nodevec1, nodevec2, W1, b1.reshape(1, D), W2, b2.reshape(1, D))


def _compute_adj(nv1, nv2, noise):
    return pl.pallas_call(
        _adj_kernel,
        grid=(NBLK,),
        in_specs=[
            pl.BlockSpec((RBLK, D), lambda i: (i, 0)),
            pl.BlockSpec((RBLK, D), lambda i: (i, 0)),
            pl.BlockSpec((N, D), lambda i: (0, 0)),
            pl.BlockSpec((N, D), lambda i: (0, 0)),
            pl.BlockSpec((RBLK, N), lambda i: (i, 0)),
        ],
        out_specs=pl.BlockSpec((RBLK, N), lambda i: (i, 0)),
        out_shape=jax.ShapeDtypeStruct((N, N), jnp.float32),
        compiler_params=pltpu.CompilerParams(
            dimension_semantics=("arbitrary",),
        ),
    )(nv1, nv2, nv1, nv2, noise)


@functools.cache
def _noise():
    return jax.random.uniform(jax.random.key(1234), (N, N),
                              dtype=jnp.float32) * 0.01


def kernel(idx, emb1, emb2, W1, b1, W2, b2):
    nodevec1 = jnp.take(emb1, idx, axis=0)
    nodevec2 = jnp.take(emb2, idx, axis=0)
    nv1, nv2 = _compute_nv(nodevec1, nodevec2, W1, b1, W2, b2)
    return _compute_adj(nv1, nv2, _noise())

# --- scband reference (transcript-rebuilt; emitter-appended) ---
"""Pipeline reference for scband-graph-constructor-12206297055830 (READ-ONLY COPY).

The authoritative reference and input builder live on the scoring server;
editing this copy changes nothing except your own understanding.
"""

import jax, jax.numpy as jnp
import numpy as np

NNODES = 8192
DIM = 64
K = 64
ALPHA = 3.0


def setup_inputs(seed: int = 0):
    key = jax.random.key(seed)
    k1, k2, k3, k4, k5, k6 = jax.random.split(key, 6)
    idx = jnp.arange(NNODES, dtype=jnp.int32)
    emb1 = jax.random.normal(k1, (NNODES, DIM), dtype=jnp.float32)
    emb2 = jax.random.normal(k2, (NNODES, DIM), dtype=jnp.float32)
    lim = 1.0 / np.sqrt(DIM)
    W1 = jax.random.uniform(k3, (DIM, DIM), minval=-lim, maxval=lim, dtype=jnp.float32)
    b1 = jax.random.uniform(k4, (DIM,), minval=-lim, maxval=lim, dtype=jnp.float32)
    W2 = jax.random.uniform(k5, (DIM, DIM), minval=-lim, maxval=lim, dtype=jnp.float32)
    b2 = jax.random.uniform(k6, (DIM,), minval=-lim, maxval=lim, dtype=jnp.float32)
    return {"idx": idx, "emb1": emb1, "emb2": emb2, "W1": W1, "b1": b1, "W2": W2, "b2": b2}


def reference(idx, emb1, emb2, W1, b1, W2, b2):
    nodevec1 = jnp.take(emb1, idx, axis=0)
    nodevec2 = jnp.take(emb2, idx, axis=0)
    nv1 = jnp.tanh(ALPHA * (nodevec1 @ W1.T + b1))
    nv2 = jnp.tanh(ALPHA * (nodevec2 @ W2.T + b2))
    a = nv1 @ nv2.T - nv2 @ nv1.T
    adj = jax.nn.relu(jnp.tanh(ALPHA * a))
    noise = jax.random.uniform(jax.random.key(1234), adj.shape, dtype=jnp.float32) * 0.01
    _, t1 = jax.lax.top_k(adj + noise, K)
    n = adj.shape[0]
    rows = jnp.arange(n, dtype=jnp.int32)[:, None]
    mask = jnp.zeros((n, n), dtype=adj.dtype).at[rows, t1].set(1.0)
    return adj * mask

if __name__ == "__main__":
    import jax
    _d = setup_inputs()
    print(jax.jit(kernel)(*tuple(_d.values())))

</pallas_src>

<mosaic_0001>
module attributes {stable_mosaic.version = 14 : i64} {
  func.func @_nv_kernel(%arg0: memref<8192x64xf32, #tpu.memory_space<vmem>>, %arg1: memref<8192x64xf32, #tpu.memory_space<vmem>>, %arg2: memref<64x64xf32, #tpu.memory_space<vmem>>, %arg3: memref<1x64xf32, #tpu.memory_space<vmem>>, %arg4: memref<64x64xf32, #tpu.memory_space<vmem>>, %arg5: memref<1x64xf32, #tpu.memory_space<vmem>>, %arg6: memref<8192x64xf32, #tpu.memory_space<vmem>>, %arg7: memref<8192x64xf32, #tpu.memory_space<vmem>>) attributes {dimension_semantics = [], scalar_prefetch = 0 : i64, scratch_operands = 0 : i64, tpu.core_type = #tpu.core_type<tc>} {
    %get3A = arith.constant 0 : index
    %get3A_0 = arith.constant 0 : index
    %get3A_1 = vector.load %arg0[%get3A, %get3A_0] : memref<8192x64xf32, #tpu.memory_space<vmem>>, vector<8192x64xf32>
    %get3A_2 = arith.constant 0 : index
    %get3A_3 = arith.constant 0 : index
    %get3A_4 = vector.load %arg2[%get3A_2, %get3A_3] : memref<64x64xf32, #tpu.memory_space<vmem>>, vector<64x64xf32>
    %dot_general3A = arith.constant dense<0.000000e+00> : vector<8192x64xf32>
    %dot_general3A_5 = tpu.matmul %get3A_1, %get3A_4, %dot_general3A {dimension_numbers = #tpu.dot_dimension_numbers<[1], [1], [0], [0], [0, 0, 1, 0], [], []>, transpose_lhs_hint = false} : vector<8192x64xf32>, vector<64x64xf32>, vector<8192x64xf32> -> vector<8192x64xf32>
    %get3A_6 = arith.constant 0 : index
    %get3A_7 = arith.constant 0 : index
    %get3A_8 = vector.load %arg3[%get3A_6, %get3A_7] : memref<1x64xf32, #tpu.memory_space<vmem>>, vector<1x64xf32>
    %add3A = vector.broadcast %get3A_8 : vector<1x64xf32> to vector<8192x64xf32>
    %add3A_9 = arith.addf %dot_general3A_5, %add3A : vector<8192x64xf32>
    %mul3A = arith.constant 3.000000e+00 : f32
    %mul3A_10 = vector.broadcast %mul3A : f32 to vector<8192x64xf32>
    %mul3A_11 = arith.mulf %mul3A_10, %add3A_9 : vector<8192x64xf32>
    %tanh3A = math.tanh %mul3A_11 : vector<8192x64xf32>
    %swap3A = arith.constant 0 : index
    %swap3A_12 = arith.constant 0 : index
    %swap3A_13 = vector.load %arg6[%swap3A, %swap3A_12] : memref<8192x64xf32, #tpu.memory_space<vmem>>, vector<8192x64xf32>
    tpu.vector_store %arg6[%swap3A, %swap3A_12], %tanh3A {strides = array<i32>} : memref<8192x64xf32, #tpu.memory_space<vmem>>, vector<8192x64xf32>,
    %get3A_14 = arith.constant 0 : index
    %get3A_15 = arith.constant 0 : index
    %get3A_16 = vector.load %arg1[%get3A_14, %get3A_15] : memref<8192x64xf32, #tpu.memory_space<vmem>>, vector<8192x64xf32>
    %get3A_17 = arith.constant 0 : index
    %get3A_18 = arith.constant 0 : index
    %get3A_19 = vector.load %arg4[%get3A_17, %get3A_18] : memref<64x64xf32, #tpu.memory_space<vmem>>, vector<64x64xf32>
    %dot_general3A_20 = arith.constant dense<0.000000e+00> : vector<8192x64xf32>
    %dot_general3A_21 = tpu.matmul %get3A_16, %get3A_19, %dot_general3A_20 {dimension_numbers = #tpu.dot_dimension_numbers<[1], [1], [0], [0], [0, 0, 1, 0], [], []>, transpose_lhs_hint = false} : vector<8192x64xf32>, vector<64x64xf32>, vector<8192x64xf32> -> vector<8192x64xf32>
    %get3A_22 = arith.constant 0 : index
    %get3A_23 = arith.constant 0 : index
    %get3A_24 = vector.load %arg5[%get3A_22, %get3A_23] : memref<1x64xf32, #tpu.memory_space<vmem>>, vector<1x64xf32>
    %add3A_25 = vector.broadcast %get3A_24 : vector<1x64xf32> to vector<8192x64xf32>
    %add3A_26 = arith.addf %dot_general3A_21, %add3A_25 : vector<8192x64xf32>
    %mul3A_27 = arith.constant 3.000000e+00 : f32
    %mul3A_28 = vector.broadcast %mul3A_27 : f32 to vector<8192x64xf32>
    %mul3A_29 = arith.mulf %mul3A_28, %add3A_26 : vector<8192x64xf32>
    %tanh3A_30 = math.tanh %mul3A_29 : vector<8192x64xf32>
    %swap3A_31 = arith.constant 0 : index
    %swap3A_32 = arith.constant 0 : index
    %swap3A_33 = vector.load %arg7[%swap3A_31, %swap3A_32] : memref<8192x64xf32, #tpu.memory_space<vmem>>, vector<8192x64xf32>
    tpu.vector_store %arg7[%swap3A_31, %swap3A_32], %tanh3A_30 {strides = array<i32>} : memref<8192x64xf32, #tpu.memory_space<vmem>>, vector<8192x64xf32>,
    return
  }
}

module attributes {stable_mosaic.version = 14 : i64} {
  func.func @_adj_kernel(%arg0: i32, %arg1: memref<128x64xf32, #tpu.memory_space<vmem>>, %arg2: memref<128x64xf32, #tpu.memory_space<vmem>>, %arg3: memref<8192x64xf32, #tpu.memory_space<vmem>>, %arg4: memref<8192x64xf32, #tpu.memory_space<vmem>>, %arg5: memref<128x8192xf32, #tpu.memory_space<vmem>>, %arg6: memref<128x8192xf32, #tpu.memory_space<vmem>>) attributes {dimension_semantics = [#tpu.dimension_semantics<arbitrary>], iteration_bounds = array<i64: 64>, scalar_prefetch = 0 : i64, scratch_operands = 0 : i64, tpu.core_type = #tpu.core_type<tc>, window_params = [{transform_indices = @transform_0, window_bounds = array<i64: 128, 64>}, {transform_indices = @transform_1, window_bounds = array<i64: 128, 64>}, {pipeline_mode = #tpu.pipeline_mode<synchronous>, transform_indices = @transform_2, window_bounds = array<i64: 8192, 64>}, {pipeline_mode = #tpu.pipeline_mode<synchronous>, transform_indices = @transform_3, window_bounds = array<i64: 8192, 64>}, {transform_indices = @transform_4, window_bounds = array<i64: 128, 8192>}, {transform_indices = @transform_5, window_bounds = array<i64: 128, 8192>}]} {
    %get3A = arith.constant 0 : index
    %get3A_0 = arith.constant 0 : index
    %get3A_1 = vector.load %arg1[%get3A, %get3A_0] : memref<128x64xf32, #tpu.memory_space<vmem>>, vector<128x64xf32>
    %get3A_2 = arith.constant 0 : index
    %get3A_3 = arith.constant 0 : index
    %get3A_4 = vector.load %arg4[%get3A_2, %get3A_3] : memref<8192x64xf32, #tpu.memory_space<vmem>>, vector<8192x64xf32>
    %dot_general3A = arith.constant dense<0.000000e+00> : vector<128x8192xf32>
    %dot_general3A_5 = tpu.matmul %get3A_1, %get3A_4, %dot_general3A {dimension_numbers = #tpu.dot_dimension_numbers<[1], [1], [0], [0], [0, 0, 1, 0], [], []>, transpose_lhs_hint = false} : vector<128x64xf32>, vector<8192x64xf32>, vector<128x8192xf32> -> vector<128x8192xf32>
    %get3A_6 = arith.constant 0 : index
    %get3A_7 = arith.constant 0 : index
    %get3A_8 = vector.load %arg2[%get3A_6, %get3A_7] : memref<128x64xf32, #tpu.memory_space<vmem>>, vector<128x64xf32>
    %get3A_9 = arith.constant 0 : index
    %get3A_10 = arith.constant 0 : index
    %get3A_11 = vector.load %arg3[%get3A_9, %get3A_10] : memref<8192x64xf32, #tpu.memory_space<vmem>>, vector<8192x64xf32>
    %dot_general3A_12 = arith.constant dense<0.000000e+00> : vector<128x8192xf32>
    %dot_general3A_13 = tpu.matmul %get3A_8, %get3A_11, %dot_general3A_12 {dimension_numbers = #tpu.dot_dimension_numbers<[1], [1], [0], [0], [0, 0, 1, 0], [], []>, transpose_lhs_hint = false} : vector<128x64xf32>, vector<8192x64xf32>, vector<128x8192xf32> -> vector<128x8192xf32>
    %sub3A = arith.subf %dot_general3A_5, %dot_general3A_13 : vector<128x8192xf32>
    %mul3A = arith.constant 3.000000e+00 : f32
    %mul3A_14 = vector.broadcast %mul3A : f32 to vector<128x8192xf32>
    %mul3A_15 = arith.mulf %mul3A_14, %sub3A : vector<128x8192xf32>
    %tanh3A = math.tanh %mul3A_15 : vector<128x8192xf32>
    %max3A = arith.constant 0.000000e+00 : f32
    %max3A_16 = vector.broadcast %max3A : f32 to vector<128x8192xf32>
    %max3A_17 = arith.maximumf %tanh3A, %max3A_16 : vector<128x8192xf32>
    %get3A_18 = arith.constant 0 : index
    %get3A_19 = arith.constant 0 : index
    %get3A_20 = vector.load %arg5[%get3A_18, %get3A_19] : memref<128x8192xf32, #tpu.memory_space<vmem>>, vector<128x8192xf32>
    %add3A = arith.addf %max3A_17, %get3A_20 : vector<128x8192xf32>
    %bitcast_convert_type3A = tpu.bitcast %add3A : vector<128x8192xf32> -> vector<128x8192xi32>
    %broadcast_in_dim3A = arith.constant 0 : i32
    %broadcast_in_dim3A_21 = vector.broadcast %broadcast_in_dim3A : i32 to vector<128x1xi32>
    %broadcast_in_dim3A_22 = arith.constant 1073741824 : i32
    %broadcast_in_dim3A_23 = vector.broadcast %broadcast_in_dim3A_22 : i32 to vector<128x1xi32>
    %scan3A = arith.constant 0 : i32
    %add3A_24 = arith.addi %broadcast_in_dim3A_21, %broadcast_in_dim3A_23 : vector<128x1xi32>
    %shift_right_logical3A = arith.constant 1 : i32
    %shift_right_logical3A_25 = vector.broadcast %shift_right_logical3A : i32 to vector<128x1xi32>
    %shift_right_logical3A_26 = arith.shrui %add3A_24, %shift_right_logical3A_25 : vector<128x1xi32>
    %ge3A = vector.broadcast %shift_right_logical3A_26 : vector<128x1xi32> to vector<128x8192xi32>
    %ge3A_27 = arith.cmpi sge, %bitcast_convert_type3A, %ge3A : vector<128x8192xi32>
    %jit3A = arith.constant 1.000000e+00 : f32
    %jit3A_28 = arith.constant 0.000000e+00 : f32
    %broadcast_in_dim3A_29 = vector.broadcast %jit3A : f32 to vector<128x8192xf32>
    %broadcast_in_dim3A_30 = vector.broadcast %jit3A_28 : f32 to vector<128x8192xf32>
    %select_n3A = arith.select %ge3A_27, %broadcast_in_dim3A_29, %broadcast_in_dim3A_30 : vector<128x8192xi1>, vector<128x8192xf32>
    %reduce_sum3A = arith.constant dense<0.000000e+00> : vector<128xf32>
    %reduce_sum3A_31 = vector.multi_reduction <add>, %select_n3A, %reduce_sum3A [1] : vector<128x8192xf32> to vector<128xf32>
    %broadcast_in_dim3A_32 = vector.shape_cast %reduce_sum3A_31 : vector<128xf32> to vector<128x1xf32>
    %ge3A_33 = arith.constant 6.400000e+01 : f32
    %ge3A_34 = vector.broadcast %ge3A_33 : f32 to vector<128x1xf32>
    %ge3A_35 = arith.cmpf oge, %broadcast_in_dim3A_32, %ge3A_34 : vector<128x1xf32>
    %select_n3A_36 = arith.select %ge3A_35, %shift_right_logical3A_26, %broadcast_in_dim3A_21 : vector<128x1xi1>, vector<128x1xi32>
    %select_n3A_37 = arith.select %ge3A_35, %broadcast_in_dim3A_23, %shift_right_logical3A_26 : vector<128x1xi1>, vector<128x1xi32>
    %scan3A_38 = arith.constant 1 : i32
    %add3A_39 = arith.addi %select_n3A_36, %select_n3A_37 : vector<128x1xi32>
    %shift_right_logical3A_40 = arith.constant 1 : i32
    %shift_right_logical3A_41 = vector.broadcast %shift_right_logical3A_40 : i32 to vector<128x1xi32>
    %shift_right_logical3A_42 = arith.shrui %add3A_39, %shift_right_logical3A_41 : vector<128x1xi32>
    %ge3A_43 = vector.broadcast %shift_right_logical3A_42 : vector<128x1xi32> to vector<128x8192xi32>
    %ge3A_44 = arith.cmpi sge, %bitcast_convert_type3A, %ge3A_43 : vector<128x8192xi32>
    %jit3A_45 = arith.constant 1.000000e+00 : f32
    %jit3A_46 = arith.constant 0.000000e+00 : f32
    %broadcast_in_dim3A_47 = vector.broadcast %jit3A_45 : f32 to vector<128x8192xf32>
    %broadcast_in_dim3A_48 = vector.broadcast %jit3A_46 : f32 to vector<128x8192xf32>
    %select_n3A_49 = arith.select %ge3A_44, %broadcast_in_dim3A_47, %broadcast_in_dim3A_48 : vector<128x8192xi1>, vector<128x8192xf32>
    %reduce_sum3A_50 = arith.constant dense<0.000000e+00> : vector<128xf32>
    %reduce_sum3A_51 = vector.multi_reduction <add>, %select_n3A_49, %reduce_sum3A_50 [1] : vector<128x8192xf32> to vector<128xf32>
    %broadcast_in_dim3A_52 = vector.shape_cast %reduce_sum3A_51 : vector<128xf32> to vector<128x1xf32>
    %ge3A_53 = arith.constant 6.400000e+01 : f32
    %ge3A_54 = vector.broadcast %ge3A_53 : f32 to vector<128x1xf32>
    %ge3A_55 = arith.cmpf oge, %broadcast_in_dim3A_52, %ge3A_54 : vector<128x1xf32>
    %select_n3A_56 = arith.select %ge3A_55, %shift_right_logical3A_42, %select_n3A_36 : vector<128x1xi1>, vector<128x1xi32>
    %select_n3A_57 = arith.select %ge3A_55, %select_n3A_37, %shift_right_logical3A_42 : vector<128x1xi1>, vector<128x1xi32>
    %scan3A_58 = arith.constant 2 : i32
    %add3A_59 = arith.addi %select_n3A_56, %select_n3A_57 : vector<128x1xi32>
    %shift_right_logical3A_60 = arith.constant 1 : i32
    %shift_right_logical3A_61 = vector.broadcast %shift_right_logical3A_60 : i32 to vector<128x1xi32>
    %shift_right_logical3A_62 = arith.shrui %add3A_59, %shift_right_logical3A_61 : vector<128x1xi32>
    %ge3A_63 = vector.broadcast %shift_right_logical3A_62 : vector<128x1xi32> to vector<128x8192xi32>
    %ge3A_64 = arith.cmpi sge, %bitcast_convert_type3A, %ge3A_63 : vector<128x8192xi32>
    %jit3A_65 = arith.constant 1.000000e+00 : f32
    %jit3A_66 = arith.constant 0.000000e+00 : f32
    %broadcast_in_dim3A_67 = vector.broadcast %jit3A_65 : f32 to vector<128x8192xf32>
    %broadcast_in_dim3A_68 = vector.broadcast %jit3A_66 : f32 to vector<128x8192xf32>
    %select_n3A_69 = arith.select %ge3A_64, %broadcast_in_dim3A_67, %broadcast_in_dim3A_68 : vector<128x8192xi1>, vector<128x8192xf32>
    %reduce_sum3A_70 = arith.constant dense<0.000000e+00> : vector<128xf32>
    %reduce_sum3A_71 = vector.multi_reduction <add>, %select_n3A_69, %reduce_sum3A_70 [1] : vector<128x8192xf32> to vector<128xf32>
    %broadcast_in_dim3A_72 = vector.shape_cast %reduce_sum3A_71 : vector<128xf32> to vector<128x1xf32>
    %ge3A_73 = arith.constant 6.400000e+01 : f32
    %ge3A_74 = vector.broadcast %ge3A_73 : f32 to vector<128x1xf32>
    %ge3A_75 = arith.cmpf oge, %broadcast_in_dim3A_72, %ge3A_74 : vector<128x1xf32>
    %select_n3A_76 = arith.select %ge3A_75, %shift_right_logical3A_62, %select_n3A_56 : vector<128x1xi1>, vector<128x1xi32>
    %select_n3A_77 = arith.select %ge3A_75, %select_n3A_57, %shift_right_logical3A_62 : vector<128x1xi1>, vector<128x1xi32>
    %scan3A_78 = arith.constant 3 : i32
    %add3A_79 = arith.addi %select_n3A_76, %select_n3A_77 : vector<128x1xi32>
    %shift_right_logical3A_80 = arith.constant 1 : i32
    %shift_right_logical3A_81 = vector.broadcast %shift_right_logical3A_80 : i32 to vector<128x1xi32>
    %shift_right_logical3A_82 = arith.shrui %add3A_79, %shift_right_logical3A_81 : vector<128x1xi32>
    %ge3A_83 = vector.broadcast %shift_right_logical3A_82 : vector<128x1xi32> to vector<128x8192xi32>
    %ge3A_84 = arith.cmpi sge, %bitcast_convert_type3A, %ge3A_83 : vector<128x8192xi32>
    %jit3A_85 = arith.constant 1.000000e+00 : f32
    %jit3A_86 = arith.constant 0.000000e+00 : f32
    %broadcast_in_dim3A_87 = vector.broadcast %jit3A_85 : f32 to vector<128x8192xf32>
    %broadcast_in_dim3A_88 = vector.broadcast %jit3A_86 : f32 to vector<128x8192xf32>
    %select_n3A_89 = arith.select %ge3A_84, %broadcast_in_dim3A_87, %broadcast_in_dim3A_88 : vector<128x8192xi1>, vector<128x8192xf32>
    %reduce_sum3A_90 = arith.constant dense<0.000000e+00> : vector<128xf32>
    %reduce_sum3A_91 = vector.multi_reduction <add>, %select_n3A_89, %reduce_sum3A_90 [1] : vector<128x8192xf32> to vector<128xf32>
    %broadcast_in_dim3A_92 = vector.shape_cast %reduce_sum3A_91 : vector<128xf32> to vector<128x1xf32>
    %ge3A_93 = arith.constant 6.400000e+01 : f32
    %ge3A_94 = vector.broadcast %ge3A_93 : f32 to vector<128x1xf32>
    %ge3A_95 = arith.cmpf oge, %broadcast_in_dim3A_92, %ge3A_94 : vector<128x1xf32>
    %select_n3A_96 = arith.select %ge3A_95, %shift_right_logical3A_82, %select_n3A_76 : vector<128x1xi1>, vector<128x1xi32>
    %select_n3A_97 = arith.select %ge3A_95, %select_n3A_77, %shift_right_logical3A_82 : vector<128x1xi1>, vector<128x1xi32>
    %scan3A_98 = arith.constant 4 : i32
    %add3A_99 = arith.addi %select_n3A_96, %select_n3A_97 : vector<128x1xi32>
    %shift_right_logical3A_100 = arith.constant 1 : i32
    %shift_right_logical3A_101 = vector.broadcast %shift_right_logical3A_100 : i32 to vector<128x1xi32>
    %shift_right_logical3A_102 = arith.shrui %add3A_99, %shift_right_logical3A_101 : vector<128x1xi32>
    %ge3A_103 = vector.broadcast %shift_right_logical3A_102 : vector<128x1xi32> to vector<128x8192xi32>
    %ge3A_104 = arith.cmpi sge, %bitcast_convert_type3A, %ge3A_103 : vector<128x8192xi32>
    %jit3A_105 = arith.constant 1.000000e+00 : f32
    %jit3A_106 = arith.constant 0.000000e+00 : f32
    %broadcast_in_dim3A_107 = vector.broadcast %jit3A_105 : f32 to vector<128x8192xf32>
    %broadcast_in_dim3A_108 = vector.broadcast %jit3A_106 : f32 to vector<128x8192xf32>
    %select_n3A_109 = arith.select %ge3A_104, %broadcast_in_dim3A_107, %broadcast_in_dim3A_108 : vector<128x8192xi1>, vector<128x8192xf32>
    %reduce_sum3A_110 = arith.constant dense<0.000000e+00> : vector<128xf32>
    %reduce_sum3A_111 = vector.multi_reduction <add>, %select_n3A_109, %reduce_sum3A_110 [1] : vector<128x8192xf32> to vector<128xf32>
    %broadcast_in_dim3A_112 = vector.shape_cast %reduce_sum3A_111 : vector<128xf32> to vector<128x1xf32>
    %ge3A_113 = arith.constant 6.400000e+01 : f32
    %ge3A_114 = vector.broadcast %ge3A_113 : f32 to vector<128x1xf32>
    %ge3A_115 = arith.cmpf oge, %broadcast_in_dim3A_112, %ge3A_114 : vector<128x1xf32>
    %select_n3A_116 = arith.select %ge3A_115, %shift_right_logical3A_102, %select_n3A_96 : vector<128x1xi1>, vector<128x1xi32>
    %select_n3A_117 = arith.select %ge3A_115, %select_n3A_97, %shift_right_logical3A_102 : vector<128x1xi1>, vector<128x1xi32>
    %scan3A_118 = arith.constant 5 : i32
    %add3A_119 = arith.addi %select_n3A_116, %select_n3A_117 : vector<128x1xi32>
    %shift_right_logical3A_120 = arith.constant 1 : i32
    %shift_right_logical3A_121 = vector.broadcast %shift_right_logical3A_120 : i32 to vector<128x1xi32>
    %shift_right_logical3A_122 = arith.shrui %add3A_119, %shift_right_logical3A_121 : vector<128x1xi32>
    %ge3A_123 = vector.broadcast %shift_right_logical3A_122 : vector<128x1xi32> to vector<128x8192xi32>
    %ge3A_124 = arith.cmpi sge, %bitcast_convert_type3A, %ge3A_123 : vector<128x8192xi32>
    %jit3A_125 = arith.constant 1.000000e+00 : f32
    %jit3A_126 = arith.constant 0.000000e+00 : f32
    %broadcast_in_dim3A_127 = vector.broadcast %jit3A_125 : f32 to vector<128x8192xf32>
    %broadcast_in_dim3A_128 = vector.broadcast %jit3A_126 : f32 to vector<128x8192xf32>
    %select_n3A_129 = arith.select %ge3A_124, %broadcast_in_dim3A_127, %broadcast_in_dim3A_128 : vector<128x8192xi1>, vector<128x8192xf32>
    %reduce_sum3A_130 = arith.constant dense<0.000000e+00> : vector<128xf32>
    %reduce_sum3A_131 = vector.multi_reduction <add>, %select_n3A_129, %reduce_sum3A_130 [1] : vector<128x8192xf32> to vector<128xf32>
    %broadcast_in_dim3A_132 = vector.shape_cast %reduce_sum3A_131 : vector<128xf32> to vector<128x1xf32>
    %ge3A_133 = arith.constant 6.400000e+01 : f32
    %ge3A_134 = vector.broadcast %ge3A_133 : f32 to vector<128x1xf32>
    %ge3A_135 = arith.cmpf oge, %broadcast_in_dim3A_132, %ge3A_134 : vector<128x1xf32>
    %select_n3A_136 = arith.select %ge3A_135, %shift_right_logical3A_122, %select_n3A_116 : vector<128x1xi1>, vector<128x1xi32>
    %select_n3A_137 = arith.select %ge3A_135, %select_n3A_117, %shift_right_logical3A_122 : vector<128x1xi1>, vector<128x1xi32>
    %scan3A_138 = arith.constant 6 : i32
    %add3A_139 = arith.addi %select_n3A_136, %select_n3A_137 : vector<128x1xi32>
    %shift_right_logical3A_140 = arith.constant 1 : i32
    %shift_right_logical3A_141 = vector.broadcast %shift_right_logical3A_140 : i32 to vector<128x1xi32>
    %shift_right_logical3A_142 = arith.shrui %add3A_139, %shift_right_logical3A_141 : vector<128x1xi32>
    %ge3A_143 = vector.broadcast %shift_right_logical3A_142 : vector<128x1xi32> to vector<128x8192xi32>
    %ge3A_144 = arith.cmpi sge, %bitcast_convert_type3A, %ge3A_143 : vector<128x8192xi32>
    %jit3A_145 = arith.constant 1.000000e+00 : f32
    %jit3A_146 = arith.constant 0.000000e+00 : f32
    %broadcast_in_dim3A_147 = vector.broadcast %jit3A_145 : f32 to vector<128x8192xf32>
    %broadcast_in_dim3A_148 = vector.broadcast %jit3A_146 : f32 to vector<128x8192xf32>
    %select_n3A_149 = arith.select %ge3A_144, %broadcast_in_dim3A_147, %broadcast_in_dim3A_148 : vector<128x8192xi1>, vector<128x8192xf32>
    %reduce_sum3A_150 = arith.constant dense<0.000000e+00> : vector<128xf32>
    %reduce_sum3A_151 = vector.multi_reduction <add>, %select_n3A_149, %reduce_sum3A_150 [1] : vector<128x8192xf32> to vector<128xf32>
    %broadcast_in_dim3A_152 = vector.shape_cast %reduce_sum3A_151 : vector<128xf32> to vector<128x1xf32>
    %ge3A_153 = arith.constant 6.400000e+01 : f32
    %ge3A_154 = vector.broadcast %ge3A_153 : f32 to vector<128x1xf32>
    %ge3A_155 = arith.cmpf oge, %broadcast_in_dim3A_152, %ge3A_154 : vector<128x1xf32>
    %select_n3A_156 = arith.select %ge3A_155, %shift_right_logical3A_142, %select_n3A_136 : vector<128x1xi1>, vector<128x1xi32>
    %select_n3A_157 = arith.select %ge3A_155, %select_n3A_137, %shift_right_logical3A_142 : vector<128x1xi1>, vector<128x1xi32>
    %scan3A_158 = arith.constant 7 : i32
    %add3A_159 = arith.addi %select_n3A_156, %select_n3A_157 : vector<128x1xi32>
    %shift_right_logical3A_160 = arith.constant 1 : i32
    %shift_right_logical3A_161 = vector.broadcast %shift_right_logical3A_160 : i32 to vector<128x1xi32>
    %shift_right_logical3A_162 = arith.shrui %add3A_159, %shift_right_logical3A_161 : vector<128x1xi32>
    %ge3A_163 = vector.broadcast %shift_right_logical3A_162 : vector<128x1xi32> to vector<128x8192xi32>
    %ge3A_164 = arith.cmpi sge, %bitcast_convert_type3A, %ge3A_163 : vector<128x8192xi32>
    %jit3A_165 = arith.constant 1.000000e+00 : f32
    %jit3A_166 = arith.constant 0.000000e+00 : f32
    %broadcast_in_dim3A_167 = vector.broadcast %jit3A_165 : f32 to vector<128x8192xf32>
    %broadcast_in_dim3A_168 = vector.broadcast %jit3A_166 : f32 to vector<128x8192xf32>
    %select_n3A_169 = arith.select %ge3A_164, %broadcast_in_dim3A_167, %broadcast_in_dim3A_168 : vector<128x8192xi1>, vector<128x8192xf32>
    %reduce_sum3A_170 = arith.constant dense<0.000000e+00> : vector<128xf32>
    %reduce_sum3A_171 = vector.multi_reduction <add>, %select_n3A_169, %reduce_sum3A_170 [1] : vector<128x8192xf32> to vector<128xf32>
    %broadcast_in_dim3A_172 = vector.shape_cast %reduce_sum3A_171 : vector<128xf32> to vector<128x1xf32>
    %ge3A_173 = arith.constant 6.400000e+01 : f32
    %ge3A_174 = vector.broadcast %ge3A_173 : f32 to vector<128x1xf32>
    %ge3A_175 = arith.cmpf oge, %broadcast_in_dim3A_172, %ge3A_174 : vector<128x1xf32>
    %select_n3A_176 = arith.select %ge3A_175, %shift_right_logical3A_162, %select_n3A_156 : vector<128x1xi1>, vector<128x1xi32>
    %select_n3A_177 = arith.select %ge3A_175, %select_n3A_157, %shift_right_logical3A_162 : vector<128x1xi1>, vector<128x1xi32>
    %scan3A_178 = arith.constant 8 : i32
    %add3A_179 = arith.addi %select_n3A_176, %select_n3A_177 : vector<128x1xi32>
    %shift_right_logical3A_180 = arith.constant 1 : i32
    %shift_right_logical3A_181 = vector.broadcast %shift_right_logical3A_180 : i32 to vector<128x1xi32>
    %shift_right_logical3A_182 = arith.shrui %add3A_179, %shift_right_logical3A_181 : vector<128x1xi32>
    %ge3A_183 = vector.broadcast %shift_right_logical3A_182 : vector<128x1xi32> to vector<128x8192xi32>
    %ge3A_184 = arith.cmpi sge, %bitcast_convert_type3A, %ge3A_183 : vector<128x8192xi32>
    %jit3A_185 = arith.constant 1.000000e+00 : f32
    %jit3A_186 = arith.constant 0.000000e+00 : f32
    %broadcast_in_dim3A_187 = vector.broadcast %jit3A_185 : f32 to vector<128x8192xf32>
    %broadcast_in_dim3A_188 = vector.broadcast %jit3A_186 : f32 to vector<128x8192xf32>
    %select_n3A_189 = arith.select %ge3A_184, %broadcast_in_dim3A_187, %broadcast_in_dim3A_188 : vector<128x8192xi1>, vector<128x8192xf32>
    %reduce_sum3A_190 = arith.constant dense<0.000000e+00> : vector<128xf32>
    %reduce_sum3A_191 = vector.multi_reduction <add>, %select_n3A_189, %reduce_sum3A_190 [1] : vector<128x8192xf32> to vector<128xf32>
    %broadcast_in_dim3A_192 = vector.shape_cast %reduce_sum3A_191 : vector<128xf32> to vector<128x1xf32>
    %ge3A_193 = arith.constant 6.400000e+01 : f32
    %ge3A_194 = vector.broadcast %ge3A_193 : f32 to vector<128x1xf32>
    %ge3A_195 = arith.cmpf oge, %broadcast_in_dim3A_192, %ge3A_194 : vector<128x1xf32>
    %select_n3A_196 = arith.select %ge3A_195, %shift_right_logical3A_182, %select_n3A_176 : vector<128x1xi1>, vector<128x1xi32>
    %select_n3A_197 = arith.select %ge3A_195, %select_n3A_177, %shift_right_logical3A_182 : vector<128x1xi1>, vector<128x1xi32>
    %scan3A_198 = arith.constant 9 : i32
    %add3A_199 = arith.addi %select_n3A_196, %select_n3A_197 : vector<128x1xi32>
    %shift_right_logical3A_200 = arith.constant 1 : i32
    %shift_right_logical3A_201 = vector.broadcast %shift_right_logical3A_200 : i32 to vector<128x1xi32>
    %shift_right_logical3A_202 = arith.shrui %add3A_199, %shift_right_logical3A_201 : vector<128x1xi32>
    %ge3A_203 = vector.broadcast %shift_right_logical3A_202 : vector<128x1xi32> to vector<128x8192xi32>
    %ge3A_204 = arith.cmpi sge, %bitcast_convert_type3A, %ge3A_203 : vector<128x8192xi32>
    %jit3A_205 = arith.constant 1.000000e+00 : f32
    %jit3A_206 = arith.constant 0.000000e+00 : f32
    %broadcast_in_dim3A_207 = vector.broadcast %jit3A_205 : f32 to vector<128x8192xf32>
    %broadcast_in_dim3A_208 = vector.broadcast %jit3A_206 : f32 to vector<128x8192xf32>
    %select_n3A_209 = arith.select %ge3A_204, %broadcast_in_dim3A_207, %broadcast_in_dim3A_208 : vector<128x8192xi1>, vector<128x8192xf32>
    %reduce_sum3A_210 = arith.constant dense<0.000000e+00> : vector<128xf32>
    %reduce_sum3A_211 = vector.multi_reduction <add>, %select_n3A_209, %reduce_sum3A_210 [1] : vector<128x8192xf32> to vector<128xf32>
    %broadcast_in_dim3A_212 = vector.shape_cast %reduce_sum3A_211 : vector<128xf32> to vector<128x1xf32>
    %ge3A_213 = arith.constant 6.400000e+01 : f32
    %ge3A_214 = vector.broadcast %ge3A_213 : f32 to vector<128x1xf32>
    %ge3A_215 = arith.cmpf oge, %broadcast_in_dim3A_212, %ge3A_214 : vector<128x1xf32>
    %select_n3A_216 = arith.select %ge3A_215, %shift_right_logical3A_202, %select_n3A_196 : vector<128x1xi1>, vector<128x1xi32>
    %select_n3A_217 = arith.select %ge3A_215, %select_n3A_197, %shift_right_logical3A_202 : vector<128x1xi1>, vector<128x1xi32>
    %scan3A_218 = arith.constant 10 : i32
    %add3A_219 = arith.addi %select_n3A_216, %select_n3A_217 : vector<128x1xi32>
    %shift_right_logical3A_220 = arith.constant 1 : i32
    %shift_right_logical3A_221 = vector.broadcast %shift_right_logical3A_220 : i32 to vector<128x1xi32>
    %shift_right_logical3A_222 = arith.shrui %add3A_219, %shift_right_logical3A_221 : vector<128x1xi32>
    %ge3A_223 = vector.broadcast %shift_right_logical3A_222 : vector<128x1xi32> to vector<128x8192xi32>
    %ge3A_224 = arith.cmpi sge, %bitcast_convert_type3A, %ge3A_223 : vector<128x8192xi32>
    %jit3A_225 = arith.constant 1.000000e+00 : f32
    %jit3A_226 = arith.constant 0.000000e+00 : f32
    %broadcast_in_dim3A_227 = vector.broadcast %jit3A_225 : f32 to vector<128x8192xf32>
    %broadcast_in_dim3A_228 = vector.broadcast %jit3A_226 : f32 to vector<128x8192xf32>
    %select_n3A_229 = arith.select %ge3A_224, %broadcast_in_dim3A_227, %broadcast_in_dim3A_228 : vector<128x8192xi1>, vector<128x8192xf32>
    %reduce_sum3A_230 = arith.constant dense<0.000000e+00> : vector<128xf32>
    %reduce_sum3A_231 = vector.multi_reduction <add>, %select_n3A_229, %reduce_sum3A_230 [1] : vector<128x8192xf32> to vector<128xf32>
    %broadcast_in_dim3A_232 = vector.shape_cast %reduce_sum3A_231 : vector<128xf32> to vector<128x1xf32>
    %ge3A_233 = arith.constant 6.400000e+01 : f32
    %ge3A_234 = vector.broadcast %ge3A_233 : f32 to vector<128x1xf32>
    %ge3A_235 = arith.cmpf oge, %broadcast_in_dim3A_232, %ge3A_234 : vector<128x1xf32>
    %select_n3A_236 = arith.select %ge3A_235, %shift_right_logical3A_222, %select_n3A_216 : vector<128x1xi1>, vector<128x1xi32>
    %select_n3A_237 = arith.select %ge3A_235, %select_n3A_217, %shift_right_logical3A_222 : vector<128x1xi1>, vector<128x1xi32>
    %scan3A_238 = arith.constant 11 : i32
    %add3A_239 = arith.addi %select_n3A_236, %select_n3A_237 : vector<128x1xi32>
    %shift_right_logical3A_240 = arith.constant 1 : i32
    %shift_right_logical3A_241 = vector.broadcast %shift_right_logical3A_240 : i32 to vector<128x1xi32>
    %shift_right_logical3A_242 = arith.shrui %add3A_239, %shift_right_logical3A_241 : vector<128x1xi32>
    %ge3A_243 = vector.broadcast %shift_right_logical3A_242 : vector<128x1xi32> to vector<128x8192xi32>
    %ge3A_244 = arith.cmpi sge, %bitcast_convert_type3A, %ge3A_243 : vector<128x8192xi32>
    %jit3A_245 = arith.constant 1.000000e+00 : f32
    %jit3A_246 = arith.constant 0.000000e+00 : f32
    %broadcast_in_dim3A_247 = vector.broadcast %jit3A_245 : f32 to vector<128x8192xf32>
    %broadcast_in_dim3A_248 = vector.broadcast %jit3A_246 : f32 to vector<128x8192xf32>
    %select_n3A_249 = arith.select %ge3A_244, %broadcast_in_dim3A_247, %broadcast_in_dim3A_248 : vector<128x8192xi1>, vector<128x8192xf32>
    %reduce_sum3A_250 = arith.constant dense<0.000000e+00> : vector<128xf32>
    %reduce_sum3A_251 = vector.multi_reduction <add>, %select_n3A_249, %reduce_sum3A_250 [1] : vector<128x8192xf32> to vector<128xf32>
    %broadcast_in_dim3A_252 = vector.shape_cast %reduce_sum3A_251 : vector<128xf32> to vector<128x1xf32>
    %ge3A_253 = arith.constant 6.400000e+01 : f32
    %ge3A_254 = vector.broadcast %ge3A_253 : f32 to vector<128x1xf32>
    %ge3A_255 = arith.cmpf oge, %broadcast_in_dim3A_252, %ge3A_254 : vector<128x1xf32>
    %select_n3A_256 = arith.select %ge3A_255, %shift_right_logical3A_242, %select_n3A_236 : vector<128x1xi1>, vector<128x1xi32>
    %select_n3A_257 = arith.select %ge3A_255, %select_n3A_237, %shift_right_logical3A_242 : vector<128x1xi1>, vector<128x1xi32>
    %scan3A_258 = arith.constant 12 : i32
    %add3A_259 = arith.addi %select_n3A_256, %select_n3A_257 : vector<128x1xi32>
    %shift_right_logical3A_260 = arith.constant 1 : i32
    %shift_right_logical3A_261 = vector.broadcast %shift_right_logical3A_260 : i32 to vector<128x1xi32>
    %shift_right_logical3A_262 = arith.shrui %add3A_259, %shift_right_logical3A_261 : vector<128x1xi32>
    %ge3A_263 = vector.broadcast %shift_right_logical3A_262 : vector<128x1xi32> to vector<128x8192xi32>
    %ge3A_264 = arith.cmpi sge, %bitcast_convert_type3A, %ge3A_263 : vector<128x8192xi32>
    %jit3A_265 = arith.constant 1.000000e+00 : f32
    %jit3A_266 = arith.constant 0.000000e+00 : f32
    %broadcast_in_dim3A_267 = vector.broadcast %jit3A_265 : f32 to vector<128x8192xf32>
    %broadcast_in_dim3A_268 = vector.broadcast %jit3A_266 : f32 to vector<128x8192xf32>
    %select_n3A_269 = arith.select %ge3A_264, %broadcast_in_dim3A_267, %broadcast_in_dim3A_268 : vector<128x8192xi1>, vector<128x8192xf32>
    %reduce_sum3A_270 = arith.constant dense<0.000000e+00> : vector<128xf32>
    %reduce_sum3A_271 = vector.multi_reduction <add>, %select_n3A_269, %reduce_sum3A_270 [1] : vector<128x8192xf32> to vector<128xf32>
    %broadcast_in_dim3A_272 = vector.shape_cast %reduce_sum3A_271 : vector<128xf32> to vector<128x1xf32>
    %ge3A_273 = arith.constant 6.400000e+01 : f32
    %ge3A_274 = vector.broadcast %ge3A_273 : f32 to vector<128x1xf32>
    %ge3A_275 = arith.cmpf oge, %broadcast_in_dim3A_272, %ge3A_274 : vector<128x1xf32>
    %select_n3A_276 = arith.select %ge3A_275, %shift_right_logical3A_262, %select_n3A_256 : vector<128x1xi1>, vector<128x1xi32>
    %select_n3A_277 = arith.select %ge3A_275, %select_n3A_257, %shift_right_logical3A_262 : vector<128x1xi1>, vector<128x1xi32>
    %scan3A_278 = arith.constant 13 : i32
    %add3A_279 = arith.addi %select_n3A_276, %select_n3A_277 : vector<128x1xi32>
    %shift_right_logical3A_280 = arith.constant 1 : i32
    %shift_right_logical3A_281 = vector.broadcast %shift_right_logical3A_280 : i32 to vector<128x1xi32>
    %shift_right_logical3A_282 = arith.shrui %add3A_279, %shift_right_logical3A_281 : vector<128x1xi32>
    %ge3A_283 = vector.broadcast %shift_right_logical3A_282 : vector<128x1xi32> to vector<128x8192xi32>
    %ge3A_284 = arith.cmpi sge, %bitcast_convert_type3A, %ge3A_283 : vector<128x8192xi32>
    %jit3A_285 = arith.constant 1.000000e+00 : f32
    %jit3A_286 = arith.constant 0.000000e+00 : f32
    %broadcast_in_dim3A_287 = vector.broadcast %jit3A_285 : f32 to vector<128x8192xf32>
    %broadcast_in_dim3A_288 = vector.broadcast %jit3A_286 : f32 to vector<128x8192xf32>
    %select_n3A_289 = arith.select %ge3A_284, %broadcast_in_dim3A_287, %broadcast_in_dim3A_288 : vector<128x8192xi1>, vector<128x8192xf32>
    %reduce_sum3A_290 = arith.constant dense<0.000000e+00> : vector<128xf32>
    %reduce_sum3A_291 = vector.multi_reduction <add>, %select_n3A_289, %reduce_sum3A_290 [1] : vector<128x8192xf32> to vector<128xf32>
    %broadcast_in_dim3A_292 = vector.shape_cast %reduce_sum3A_291 : vector<128xf32> to vector<128x1xf32>
    %ge3A_293 = arith.constant 6.400000e+01 : f32
    %ge3A_294 = vector.broadcast %ge3A_293 : f32 to vector<128x1xf32>
    %ge3A_295 = arith.cmpf oge, %broadcast_in_dim3A_292, %ge3A_294 : vector<128x1xf32>
    %select_n3A_296 = arith.select %ge3A_295, %shift_right_logical3A_282, %select_n3A_276 : vector<128x1xi1>, vector<128x1xi32>
    %select_n3A_297 = arith.select %ge3A_295, %select_n3A_277, %shift_right_logical3A_282 : vector<128x1xi1>, vector<128x1xi32>
    %scan3A_298 = arith.constant 14 : i32
    %add3A_299 = arith.addi %select_n3A_296, %select_n3A_297 : vector<128x1xi32>
    %shift_right_logical3A_300 = arith.constant 1 : i32
    %shift_right_logical3A_301 = vector.broadcast %shift_right_logical3A_300 : i32 to vector<128x1xi32>
    %shift_right_logical3A_302 = arith.shrui %add3A_299, %shift_right_logical3A_301 : vector<128x1xi32>
    %ge3A_303 = vector.broadcast %shift_right_logical3A_302 : vector<128x1xi32> to vector<128x8192xi32>
    %ge3A_304 = arith.cmpi sge, %bitcast_convert_type3A, %ge3A_303 : vector<128x8192xi32>
    %jit3A_305 = arith.constant 1.000000e+00 : f32
    %jit3A_306 = arith.constant 0.000000e+00 : f32
    %broadcast_in_dim3A_307 = vector.broadcast %jit3A_305 : f32 to vector<128x8192xf32>
    %broadcast_in_dim3A_308 = vector.broadcast %jit3A_306 : f32 to vector<128x8192xf32>
    %select_n3A_309 = arith.select %ge3A_304, %broadcast_in_dim3A_307, %broadcast_in_dim3A_308 : vector<128x8192xi1>, vector<128x8192xf32>
    %reduce_sum3A_310 = arith.constant dense<0.000000e+00> : vector<128xf32>
    %reduce_sum3A_311 = vector.multi_reduction <add>, %select_n3A_309, %reduce_sum3A_310 [1] : vector<128x8192xf32> to vector<128xf32>
    %broadcast_in_dim3A_312 = vector.shape_cast %reduce_sum3A_311 : vector<128xf32> to vector<128x1xf32>
    %ge3A_313 = arith.constant 6.400000e+01 : f32
    %ge3A_314 = vector.broadcast %ge3A_313 : f32 to vector<128x1xf32>
    %ge3A_315 = arith.cmpf oge, %broadcast_in_dim3A_312, %ge3A_314 : vector<128x1xf32>
    %select_n3A_316 = arith.select %ge3A_315, %shift_right_logical3A_302, %select_n3A_296 : vector<128x1xi1>, vector<128x1xi32>
    %select_n3A_317 = arith.select %ge3A_315, %select_n3A_297, %shift_right_logical3A_302 : vector<128x1xi1>, vector<128x1xi32>
    %scan3A_318 = arith.constant 15 : i32
    %add3A_319 = arith.addi %select_n3A_316, %select_n3A_317 : vector<128x1xi32>
    %shift_right_logical3A_320 = arith.constant 1 : i32
    %shift_right_logical3A_321 = vector.broadcast %shift_right_logical3A_320 : i32 to vector<128x1xi32>
    %shift_right_logical3A_322 = arith.shrui %add3A_319, %shift_right_logical3A_321 : vector<128x1xi32>
    %ge3A_323 = vector.broadcast %shift_right_logical3A_322 : vector<128x1xi32> to vector<128x8192xi32>
    %ge3A_324 = arith.cmpi sge, %bitcast_convert_type3A, %ge3A_323 : vector<128x8192xi32>
    %jit3A_325 = arith.constant 1.000000e+00 : f32
    %jit3A_326 = arith.constant 0.000000e+00 : f32
    %broadcast_in_dim3A_327 = vector.broadcast %jit3A_325 : f32 to vector<128x8192xf32>
    %broadcast_in_dim3A_328 = vector.broadcast %jit3A_326 : f32 to vector<128x8192xf32>
    %select_n3A_329 = arith.select %ge3A_324, %broadcast_in_dim3A_327, %broadcast_in_dim3A_328 : vector<128x8192xi1>, vector<128x8192xf32>
    %reduce_sum3A_330 = arith.constant dense<0.000000e+00> : vector<128xf32>
    %reduce_sum3A_331 = vector.multi_reduction <add>, %select_n3A_329, %reduce_sum3A_330 [1] : vector<128x8192xf32> to vector<128xf32>
    %broadcast_in_dim3A_332 = vector.shape_cast %reduce_sum3A_331 : vector<128xf32> to vector<128x1xf32>
    %ge3A_333 = arith.constant 6.400000e+01 : f32
    %ge3A_334 = vector.broadcast %ge3A_333 : f32 to vector<128x1xf32>
    %ge3A_335 = arith.cmpf oge, %broadcast_in_dim3A_332, %ge3A_334 : vector<128x1xf32>
    %select_n3A_336 = arith.select %ge3A_335, %shift_right_logical3A_322, %select_n3A_316 : vector<128x1xi1>, vector<128x1xi32>
    %select_n3A_337 = arith.select %ge3A_335, %select_n3A_317, %shift_right_logical3A_322 : vector<128x1xi1>, vector<128x1xi32>
    %scan3A_338 = arith.constant 16 : i32
    %add3A_339 = arith.addi %select_n3A_336, %select_n3A_337 : vector<128x1xi32>
    %shift_right_logical3A_340 = arith.constant 1 : i32
    %shift_right_logical3A_341 = vector.broadcast %shift_right_logical3A_340 : i32 to vector<128x1xi32>
    %shift_right_logical3A_342 = arith.shrui %add3A_339, %shift_right_logical3A_341 : vector<128x1xi32>
    %ge3A_343 = vector.broadcast %shift_right_logical3A_342 : vector<128x1xi32> to vector<128x8192xi32>
    %ge3A_344 = arith.cmpi sge, %bitcast_convert_type3A, %ge3A_343 : vector<128x8192xi32>
    %jit3A_345 = arith.constant 1.000000e+00 : f32
    %jit3A_346 = arith.constant 0.000000e+00 : f32
    %broadcast_in_dim3A_347 = vector.broadcast %jit3A_345 : f32 to vector<128x8192xf32>
    %broadcast_in_dim3A_348 = vector.broadcast %jit3A_346 : f32 to vector<128x8192xf32>
    %select_n3A_349 = arith.select %ge3A_344, %broadcast_in_dim3A_347, %broadcast_in_dim3A_348 : vector<128x8192xi1>, vector<128x8192xf32>
    %reduce_sum3A_350 = arith.constant dense<0.000000e+00> : vector<128xf32>
    %reduce_sum3A_351 = vector.multi_reduction <add>, %select_n3A_349, %reduce_sum3A_350 [1] : vector<128x8192xf32> to vector<128xf32>
    %broadcast_in_dim3A_352 = vector.shape_cast %reduce_sum3A_351 : vector<128xf32> to vector<128x1xf32>
    %ge3A_353 = arith.constant 6.400000e+01 : f32
    %ge3A_354 = vector.broadcast %ge3A_353 : f32 to vector<128x1xf32>
    %ge3A_355 = arith.cmpf oge, %broadcast_in_dim3A_352, %ge3A_354 : vector<128x1xf32>
    %select_n3A_356 = arith.select %ge3A_355, %shift_right_logical3A_342, %select_n3A_336 : vector<128x1xi1>, vector<128x1xi32>
    %select_n3A_357 = arith.select %ge3A_355, %select_n3A_337, %shift_right_logical3A_342 : vector<128x1xi1>, vector<128x1xi32>
    %scan3A_358 = arith.constant 17 : i32
    %add3A_359 = arith.addi %select_n3A_356, %select_n3A_357 : vector<128x1xi32>
    %shift_right_logical3A_360 = arith.constant 1 : i32
    %shift_right_logical3A_361 = vector.broadcast %shift_right_logical3A_360 : i32 to vector<128x1xi32>
    %shift_right_logical3A_362 = arith.shrui %add3A_359, %shift_right_logical3A_361 : vector<128x1xi32>
    %ge3A_363 = vector.broadcast %shift_right_logical3A_362 : vector<128x1xi32> to vector<128x8192xi32>
    %ge3A_364 = arith.cmpi sge, %bitcast_convert_type3A, %ge3A_363 : vector<128x8192xi32>
    %jit3A_365 = arith.constant 1.000000e+00 : f32
    %jit3A_366 = arith.constant 0.000000e+00 : f32
    %broadcast_in_dim3A_367 = vector.broadcast %jit3A_365 : f32 to vector<128x8192xf32>
    %broadcast_in_dim3A_368 = vector.broadcast %jit3A_366 : f32 to vector<128x8192xf32>
    %select_n3A_369 = arith.select %ge3A_364, %broadcast_in_dim3A_367, %broadcast_in_dim3A_368 : vector<128x8192xi1>, vector<128x8192xf32>
    %reduce_sum3A_370 = arith.constant dense<0.000000e+00> : vector<128xf32>
    %reduce_sum3A_371 = vector.multi_reduction <add>, %select_n3A_369, %reduce_sum3A_370 [1] : vector<128x8192xf32> to vector<128xf32>
    %broadcast_in_dim3A_372 = vector.shape_cast %reduce_sum3A_371 : vector<128xf32> to vector<128x1xf32>
    %ge3A_373 = arith.constant 6.400000e+01 : f32
    %ge3A_374 = vector.broadcast %ge3A_373 : f32 to vector<128x1xf32>
    %ge3A_375 = arith.cmpf oge, %broadcast_in_dim3A_372, %ge3A_374 : vector<128x1xf32>
    %select_n3A_376 = arith.select %ge3A_375, %shift_right_logical3A_362, %select_n3A_356 : vector<128x1xi1>, vector<128x1xi32>
    %select_n3A_377 = arith.select %ge3A_375, %select_n3A_357, %shift_right_logical3A_362 : vector<128x1xi1>, vector<128x1xi32>
    %scan3A_378 = arith.constant 18 : i32
    %add3A_379 = arith.addi %select_n3A_376, %select_n3A_377 : vector<128x1xi32>
    %shift_right_logical3A_380 = arith.constant 1 : i32
    %shift_right_logical3A_381 = vector.broadcast %shift_right_logical3A_380 : i32 to vector<128x1xi32>
    %shift_right_logical3A_382 = arith.shrui %add3A_379, %shift_right_logical3A_381 : vector<128x1xi32>
    %ge3A_383 = vector.broadcast %shift_right_logical3A_382 : vector<128x1xi32> to vector<128x8192xi32>
    %ge3A_384 = arith.cmpi sge, %bitcast_convert_type3A, %ge3A_383 : vector<128x8192xi32>
    %jit3A_385 = arith.constant 1.000000e+00 : f32
    %jit3A_386 = arith.constant 0.000000e+00 : f32
    %broadcast_in_dim3A_387 = vector.broadcast %jit3A_385 : f32 to vector<128x8192xf32>
    %broadcast_in_dim3A_388 = vector.broadcast %jit3A_386 : f32 to vector<128x8192xf32>
    %select_n3A_389 = arith.select %ge3A_384, %broadcast_in_dim3A_387, %broadcast_in_dim3A_388 : vector<128x8192xi1>, vector<128x8192xf32>
    %reduce_sum3A_390 = arith.constant dense<0.000000e+00> : vector<128xf32>
    %reduce_sum3A_391 = vector.multi_reduction <add>, %select_n3A_389, %reduce_sum3A_390 [1] : vector<128x8192xf32> to vector<128xf32>
    %broadcast_in_dim3A_392 = vector.shape_cast %reduce_sum3A_391 : vector<128xf32> to vector<128x1xf32>
    %ge3A_393 = arith.constant 6.400000e+01 : f32
    %ge3A_394 = vector.broadcast %ge3A_393 : f32 to vector<128x1xf32>
    %ge3A_395 = arith.cmpf oge, %broadcast_in_dim3A_392, %ge3A_394 : vector<128x1xf32>
    %select_n3A_396 = arith.select %ge3A_395, %shift_right_logical3A_382, %select_n3A_376 : vector<128x1xi1>, vector<128x1xi32>
    %select_n3A_397 = arith.select %ge3A_395, %select_n3A_377, %shift_right_logical3A_382 : vector<128x1xi1>, vector<128x1xi32>
    %scan3A_398 = arith.constant 19 : i32
    %add3A_399 = arith.addi %select_n3A_396, %select_n3A_397 : vector<128x1xi32>
    %shift_right_logical3A_400 = arith.constant 1 : i32
    %shift_right_logical3A_401 = vector.broadcast %shift_right_logical3A_400 : i32 to vector<128x1xi32>
    %shift_right_logical3A_402 = arith.shrui %add3A_399, %shift_right_logical3A_401 : vector<128x1xi32>
    %ge3A_403 = vector.broadcast %shift_right_logical3A_402 : vector<128x1xi32> to vector<128x8192xi32>
    %ge3A_404 = arith.cmpi sge, %bitcast_convert_type3A, %ge3A_403 : vector<128x8192xi32>
    %jit3A_405 = arith.constant 1.000000e+00 : f32
    %jit3A_406 = arith.constant 0.000000e+00 : f32
    %broadcast_in_dim3A_407 = vector.broadcast %jit3A_405 : f32 to vector<128x8192xf32>
    %broadcast_in_dim3A_408 = vector.broadcast %jit3A_406 : f32 to vector<128x8192xf32>
    %select_n3A_409 = arith.select %ge3A_404, %broadcast_in_dim3A_407, %broadcast_in_dim3A_408 : vector<128x8192xi1>, vector<128x8192xf32>
    %reduce_sum3A_410 = arith.constant dense<0.000000e+00> : vector<128xf32>
    %reduce_sum3A_411 = vector.multi_reduction <add>, %select_n3A_409, %reduce_sum3A_410 [1] : vector<128x8192xf32> to vector<128xf32>
    %broadcast_in_dim3A_412 = vector.shape_cast %reduce_sum3A_411 : vector<128xf32> to vector<128x1xf32>
    %ge3A_413 = arith.constant 6.400000e+01 : f32
    %ge3A_414 = vector.broadcast %ge3A_413 : f32 to vector<128x1xf32>
    %ge3A_415 = arith.cmpf oge, %broadcast_in_dim3A_412, %ge3A_414 : vector<128x1xf32>
    %select_n3A_416 = arith.select %ge3A_415, %shift_right_logical3A_402, %select_n3A_396 : vector<128x1xi1>, vector<128x1xi32>
    %select_n3A_417 = arith.select %ge3A_415, %select_n3A_397, %shift_right_logical3A_402 : vector<128x1xi1>, vector<128x1xi32>
    %scan3A_418 = arith.constant 20 : i32
    %add3A_419 = arith.addi %select_n3A_416, %select_n3A_417 : vector<128x1xi32>
    %shift_right_logical3A_420 = arith.constant 1 : i32
    %shift_right_logical3A_421 = vector.broadcast %shift_right_logical3A_420 : i32 to vector<128x1xi32>
    %shift_right_logical3A_422 = arith.shrui %add3A_419, %shift_right_logical3A_421 : vector<128x1xi32>
    %ge3A_423 = vector.broadcast %shift_right_logical3A_422 : vector<128x1xi32> to vector<128x8192xi32>
    %ge3A_424 = arith.cmpi sge, %bitcast_convert_type3A, %ge3A_423 : vector<128x8192xi32>
    %jit3A_425 = arith.constant 1.000000e+00 : f32
    %jit3A_426 = arith.constant 0.000000e+00 : f32
    %broadcast_in_dim3A_427 = vector.broadcast %jit3A_425 : f32 to vector<128x8192xf32>
    %broadcast_in_dim3A_428 = vector.broadcast %jit3A_426 : f32 to vector<128x8192xf32>
    %select_n3A_429 = arith.select %ge3A_424, %broadcast_in_dim3A_427, %broadcast_in_dim3A_428 : vector<128x8192xi1>, vector<128x8192xf32>
    %reduce_sum3A_430 = arith.constant dense<0.000000e+00> : vector<128xf32>
    %reduce_sum3A_431 = vector.multi_reduction <add>, %select_n3A_429, %reduce_sum3A_430 [1] : vector<128x8192xf32> to vector<128xf32>
    %broadcast_in_dim3A_432 = vector.shape_cast %reduce_sum3A_431 : vector<128xf32> to vector<128x1xf32>
    %ge3A_433 = arith.constant 6.400000e+01 : f32
    %ge3A_434 = vector.broadcast %ge3A_433 : f32 to vector<128x1xf32>
    %ge3A_435 = arith.cmpf oge, %broadcast_in_dim3A_432, %ge3A_434 : vector<128x1xf32>
    %select_n3A_436 = arith.select %ge3A_435, %shift_right_logical3A_422, %select_n3A_416 : vector<128x1xi1>, vector<128x1xi32>
    %select_n3A_437 = arith.select %ge3A_435, %select_n3A_417, %shift_right_logical3A_422 : vector<128x1xi1>, vector<128x1xi32>
    %scan3A_438 = arith.constant 21 : i32
    %add3A_439 = arith.addi %select_n3A_436, %select_n3A_437 : vector<128x1xi32>
    %shift_right_logical3A_440 = arith.constant 1 : i32
    %shift_right_logical3A_441 = vector.broadcast %shift_right_logical3A_440 : i32 to vector<128x1xi32>
    %shift_right_logical3A_442 = arith.shrui %add3A_439, %shift_right_logical3A_441 : vector<128x1xi32>
    %ge3A_443 = vector.broadcast %shift_right_logical3A_442 : vector<128x1xi32> to vector<128x8192xi32>
    %ge3A_444 = arith.cmpi sge, %bitcast_convert_type3A, %ge3A_443 : vector<128x8192xi32>
    %jit3A_445 = arith.constant 1.000000e+00 : f32
    %jit3A_446 = arith.constant 0.000000e+00 : f32
    %broadcast_in_dim3A_447 = vector.broadcast %jit3A_445 : f32 to vector<128x8192xf32>
    %broadcast_in_dim3A_448 = vector.broadcast %jit3A_446 : f32 to vector<128x8192xf32>
    %select_n3A_449 = arith.select %ge3A_444, %broadcast_in_dim3A_447, %broadcast_in_dim3A_448 : vector<128x8192xi1>, vector<128x8192xf32>
    %reduce_sum3A_450 = arith.constant dense<0.000000e+00> : vector<128xf32>
    %reduce_sum3A_451 = vector.multi_reduction <add>, %select_n3A_449, %reduce_sum3A_450 [1] : vector<128x8192xf32> to vector<128xf32>
    %broadcast_in_dim3A_452 = vector.shape_cast %reduce_sum3A_451 : vector<128xf32> to vector<128x1xf32>
    %ge3A_453 = arith.constant 6.400000e+01 : f32
    %ge3A_454 = vector.broadcast %ge3A_453 : f32 to vector<128x1xf32>
    %ge3A_455 = arith.cmpf oge, %broadcast_in_dim3A_452, %ge3A_454 : vector<128x1xf32>
    %select_n3A_456 = arith.select %ge3A_455, %shift_right_logical3A_442, %select_n3A_436 : vector<128x1xi1>, vector<128x1xi32>
    %select_n3A_457 = arith.select %ge3A_455, %select_n3A_437, %shift_right_logical3A_442 : vector<128x1xi1>, vector<128x1xi32>
    %scan3A_458 = arith.constant 22 : i32
    %add3A_459 = arith.addi %select_n3A_456, %select_n3A_457 : vector<128x1xi32>
    %shift_right_logical3A_460 = arith.constant 1 : i32
    %shift_right_logical3A_461 = vector.broadcast %shift_right_logical3A_460 : i32 to vector<128x1xi32>
    %shift_right_logical3A_462 = arith.shrui %add3A_459, %shift_right_logical3A_461 : vector<128x1xi32>
    %ge3A_463 = vector.broadcast %shift_right_logical3A_462 : vector<128x1xi32> to vector<128x8192xi32>
    %ge3A_464 = arith.cmpi sge, %bitcast_convert_type3A, %ge3A_463 : vector<128x8192xi32>
    %jit3A_465 = arith.constant 1.000000e+00 : f32
    %jit3A_466 = arith.constant 0.000000e+00 : f32
    %broadcast_in_dim3A_467 = vector.broadcast %jit3A_465 : f32 to vector<128x8192xf32>
    %broadcast_in_dim3A_468 = vector.broadcast %jit3A_466 : f32 to vector<128x8192xf32>
    %select_n3A_469 = arith.select %ge3A_464, %broadcast_in_dim3A_467, %broadcast_in_dim3A_468 : vector<128x8192xi1>, vector<128x8192xf32>
    %reduce_sum3A_470 = arith.constant dense<0.000000e+00> : vector<128xf32>
    %reduce_sum3A_471 = vector.multi_reduction <add>, %select_n3A_469, %reduce_sum3A_470 [1] : vector<128x8192xf32> to vector<128xf32>
    %broadcast_in_dim3A_472 = vector.shape_cast %reduce_sum3A_471 : vector<128xf32> to vector<128x1xf32>
    %ge3A_473 = arith.constant 6.400000e+01 : f32
    %ge3A_474 = vector.broadcast %ge3A_473 : f32 to vector<128x1xf32>
    %ge3A_475 = arith.cmpf oge, %broadcast_in_dim3A_472, %ge3A_474 : vector<128x1xf32>
    %select_n3A_476 = arith.select %ge3A_475, %shift_right_logical3A_462, %select_n3A_456 : vector<128x1xi1>, vector<128x1xi32>
    %select_n3A_477 = arith.select %ge3A_475, %select_n3A_457, %shift_right_logical3A_462 : vector<128x1xi1>, vector<128x1xi32>
    %scan3A_478 = arith.constant 23 : i32
    %add3A_479 = arith.addi %select_n3A_476, %select_n3A_477 : vector<128x1xi32>
    %shift_right_logical3A_480 = arith.constant 1 : i32
    %shift_right_logical3A_481 = vector.broadcast %shift_right_logical3A_480 : i32 to vector<128x1xi32>
    %shift_right_logical3A_482 = arith.shrui %add3A_479, %shift_right_logical3A_481 : vector<128x1xi32>
    %ge3A_483 = vector.broadcast %shift_right_logical3A_482 : vector<128x1xi32> to vector<128x8192xi32>
    %ge3A_484 = arith.cmpi sge, %bitcast_convert_type3A, %ge3A_483 : vector<128x8192xi32>
    %jit3A_485 = arith.constant 1.000000e+00 : f32
    %jit3A_486 = arith.constant 0.000000e+00 : f32
    %broadcast_in_dim3A_487 = vector.broadcast %jit3A_485 : f32 to vector<128x8192xf32>
    %broadcast_in_dim3A_488 = vector.broadcast %jit3A_486 : f32 to vector<128x8192xf32>
    %select_n3A_489 = arith.select %ge3A_484, %broadcast_in_dim3A_487, %broadcast_in_dim3A_488 : vector<128x8192xi1>, vector<128x8192xf32>
    %reduce_sum3A_490 = arith.constant dense<0.000000e+00> : vector<128xf32>
    %reduce_sum3A_491 = vector.multi_reduction <add>, %select_n3A_489, %reduce_sum3A_490 [1] : vector<128x8192xf32> to vector<128xf32>
    %broadcast_in_dim3A_492 = vector.shape_cast %reduce_sum3A_491 : vector<128xf32> to vector<128x1xf32>
    %ge3A_493 = arith.constant 6.400000e+01 : f32
    %ge3A_494 = vector.broadcast %ge3A_493 : f32 to vector<128x1xf32>
    %ge3A_495 = arith.cmpf oge, %broadcast_in_dim3A_492, %ge3A_494 : vector<128x1xf32>
    %select_n3A_496 = arith.select %ge3A_495, %shift_right_logical3A_482, %select_n3A_476 : vector<128x1xi1>, vector<128x1xi32>
    %select_n3A_497 = arith.select %ge3A_495, %select_n3A_477, %shift_right_logical3A_482 : vector<128x1xi1>, vector<128x1xi32>
    %scan3A_498 = arith.constant 24 : i32
    %add3A_499 = arith.addi %select_n3A_496, %select_n3A_497 : vector<128x1xi32>
    %shift_right_logical3A_500 = arith.constant 1 : i32
    %shift_right_logical3A_501 = vector.broadcast %shift_right_logical3A_500 : i32 to vector<128x1xi32>
    %shift_right_logical3A_502 = arith.shrui %add3A_499, %shift_right_logical3A_501 : vector<128x1xi32>
    %ge3A_503 = vector.broadcast %shift_right_logical3A_502 : vector<128x1xi32> to vector<128x8192xi32>
    %ge3A_504 = arith.cmpi sge, %bitcast_convert_type3A, %ge3A_503 : vector<128x8192xi32>
    %jit3A_505 = arith.constant 1.000000e+00 : f32
    %jit3A_506 = arith.constant 0.000000e+00 : f32
    %broadcast_in_dim3A_507 = vector.broadcast %jit3A_505 : f32 to vector<128x8192xf32>
    %broadcast_in_dim3A_508 = vector.broadcast %jit3A_506 : f32 to vector<128x8192xf32>
    %select_n3A_509 = arith.select %ge3A_504, %broadcast_in_dim3A_507, %broadcast_in_dim3A_508 : vector<128x8192xi1>, vector<128x8192xf32>
    %reduce_sum3A_510 = arith.constant dense<0.000000e+00> : vector<128xf32>
    %reduce_sum3A_511 = vector.multi_reduction <add>, %select_n3A_509, %reduce_sum3A_510 [1] : vector<128x8192xf32> to vector<128xf32>
    %broadcast_in_dim3A_512 = vector.shape_cast %reduce_sum3A_511 : vector<128xf32> to vector<128x1xf32>
    %ge3A_513 = arith.constant 6.400000e+01 : f32
    %ge3A_514 = vector.broadcast %ge3A_513 : f32 to vector<128x1xf32>
    %ge3A_515 = arith.cmpf oge, %broadcast_in_dim3A_512, %ge3A_514 : vector<128x1xf32>
    %select_n3A_516 = arith.select %ge3A_515, %shift_right_logical3A_502, %select_n3A_496 : vector<128x1xi1>, vector<128x1xi32>
    %select_n3A_517 = arith.select %ge3A_515, %select_n3A_497, %shift_right_logical3A_502 : vector<128x1xi1>, vector<128x1xi32>
    %scan3A_518 = arith.constant 25 : i32
    %add3A_519 = arith.addi %select_n3A_516, %select_n3A_517 : vector<128x1xi32>
    %shift_right_logical3A_520 = arith.constant 1 : i32
    %shift_right_logical3A_521 = vector.broadcast %shift_right_logical3A_520 : i32 to vector<128x1xi32>
    %shift_right_logical3A_522 = arith.shrui %add3A_519, %shift_right_logical3A_521 : vector<128x1xi32>
    %ge3A_523 = vector.broadcast %shift_right_logical3A_522 : vector<128x1xi32> to vector<128x8192xi32>
    %ge3A_524 = arith.cmpi sge, %bitcast_convert_type3A, %ge3A_523 : vector<128x8192xi32>
    %jit3A_525 = arith.constant 1.000000e+00 : f32
    %jit3A_526 = arith.constant 0.000000e+00 : f32
    %broadcast_in_dim3A_527 = vector.broadcast %jit3A_525 : f32 to vector<128x8192xf32>
    %broadcast_in_dim3A_528 = vector.broadcast %jit3A_526 : f32 to vector<128x8192xf32>
    %select_n3A_529 = arith.select %ge3A_524, %broadcast_in_dim3A_527, %broadcast_in_dim3A_528 : vector<128x8192xi1>, vector<128x8192xf32>
    %reduce_sum3A_530 = arith.constant dense<0.000000e+00> : vector<128xf32>
    %reduce_sum3A_531 = vector.multi_reduction <add>, %select_n3A_529, %reduce_sum3A_530 [1] : vector<128x8192xf32> to vector<128xf32>
    %broadcast_in_dim3A_532 = vector.shape_cast %reduce_sum3A_531 : vector<128xf32> to vector<128x1xf32>
    %ge3A_533 = arith.constant 6.400000e+01 : f32
    %ge3A_534 = vector.broadcast %ge3A_533 : f32 to vector<128x1xf32>
    %ge3A_535 = arith.cmpf oge, %broadcast_in_dim3A_532, %ge3A_534 : vector<128x1xf32>
    %select_n3A_536 = arith.select %ge3A_535, %shift_right_logical3A_522, %select_n3A_516 : vector<128x1xi1>, vector<128x1xi32>
    %select_n3A_537 = arith.select %ge3A_535, %select_n3A_517, %shift_right_logical3A_522 : vector<128x1xi1>, vector<128x1xi32>
    %scan3A_538 = arith.constant 26 : i32
    %add3A_539 = arith.addi %select_n3A_536, %select_n3A_537 : vector<128x1xi32>
    %shift_right_logical3A_540 = arith.constant 1 : i32
    %shift_right_logical3A_541 = vector.broadcast %shift_right_logical3A_540 : i32 to vector<128x1xi32>
    %shift_right_logical3A_542 = arith.shrui %add3A_539, %shift_right_logical3A_541 : vector<128x1xi32>
    %ge3A_543 = vector.broadcast %shift_right_logical3A_542 : vector<128x1xi32> to vector<128x8192xi32>
    %ge3A_544 = arith.cmpi sge, %bitcast_convert_type3A, %ge3A_543 : vector<128x8192xi32>
    %jit3A_545 = arith.constant 1.000000e+00 : f32
    %jit3A_546 = arith.constant 0.000000e+00 : f32
    %broadcast_in_dim3A_547 = vector.broadcast %jit3A_545 : f32 to vector<128x8192xf32>
    %broadcast_in_dim3A_548 = vector.broadcast %jit3A_546 : f32 to vector<128x8192xf32>
    %select_n3A_549 = arith.select %ge3A_544, %broadcast_in_dim3A_547, %broadcast_in_dim3A_548 : vector<128x8192xi1>, vector<128x8192xf32>
    %reduce_sum3A_550 = arith.constant dense<0.000000e+00> : vector<128xf32>
    %reduce_sum3A_551 = vector.multi_reduction <add>, %select_n3A_549, %reduce_sum3A_550 [1] : vector<128x8192xf32> to vector<128xf32>
    %broadcast_in_dim3A_552 = vector.shape_cast %reduce_sum3A_551 : vector<128xf32> to vector<128x1xf32>
    %ge3A_553 = arith.constant 6.400000e+01 : f32
    %ge3A_554 = vector.broadcast %ge3A_553 : f32 to vector<128x1xf32>
    %ge3A_555 = arith.cmpf oge, %broadcast_in_dim3A_552, %ge3A_554 : vector<128x1xf32>
    %select_n3A_556 = arith.select %ge3A_555, %shift_right_logical3A_542, %select_n3A_536 : vector<128x1xi1>, vector<128x1xi32>
    %select_n3A_557 = arith.select %ge3A_555, %select_n3A_537, %shift_right_logical3A_542 : vector<128x1xi1>, vector<128x1xi32>
    %scan3A_558 = arith.constant 27 : i32
    %add3A_559 = arith.addi %select_n3A_556, %select_n3A_557 : vector<128x1xi32>
    %shift_right_logical3A_560 = arith.constant 1 : i32
    %shift_right_logical3A_561 = vector.broadcast %shift_right_logical3A_560 : i32 to vector<128x1xi32>
    %shift_right_logical3A_562 = arith.shrui %add3A_559, %shift_right_logical3A_561 : vector<128x1xi32>
    %ge3A_563 = vector.broadcast %shift_right_logical3A_562 : vector<128x1xi32> to vector<128x8192xi32>
    %ge3A_564 = arith.cmpi sge, %bitcast_convert_type3A, %ge3A_563 : vector<128x8192xi32>
    %jit3A_565 = arith.constant 1.000000e+00 : f32
    %jit3A_566 = arith.constant 0.000000e+00 : f32
    %broadcast_in_dim3A_567 = vector.broadcast %jit3A_565 : f32 to vector<128x8192xf32>
    %broadcast_in_dim3A_568 = vector.broadcast %jit3A_566 : f32 to vector<128x8192xf32>
    %select_n3A_569 = arith.select %ge3A_564, %broadcast_in_dim3A_567, %broadcast_in_dim3A_568 : vector<128x8192xi1>, vector<128x8192xf32>
    %reduce_sum3A_570 = arith.constant dense<0.000000e+00> : vector<128xf32>
    %reduce_sum3A_571 = vector.multi_reduction <add>, %select_n3A_569, %reduce_sum3A_570 [1] : vector<128x8192xf32> to vector<128xf32>
    %broadcast_in_dim3A_572 = vector.shape_cast %reduce_sum3A_571 : vector<128xf32> to vector<128x1xf32>
    %ge3A_573 = arith.constant 6.400000e+01 : f32
    %ge3A_574 = vector.broadcast %ge3A_573 : f32 to vector<128x1xf32>
    %ge3A_575 = arith.cmpf oge, %broadcast_in_dim3A_572, %ge3A_574 : vector<128x1xf32>
    %select_n3A_576 = arith.select %ge3A_575, %shift_right_logical3A_562, %select_n3A_556 : vector<128x1xi1>, vector<128x1xi32>
    %select_n3A_577 = arith.select %ge3A_575, %select_n3A_557, %shift_right_logical3A_562 : vector<128x1xi1>, vector<128x1xi32>
    %scan3A_578 = arith.constant 28 : i32
    %add3A_579 = arith.addi %select_n3A_576, %select_n3A_577 : vector<128x1xi32>
    %shift_right_logical3A_580 = arith.constant 1 : i32
    %shift_right_logical3A_581 = vector.broadcast %shift_right_logical3A_580 : i32 to vector<128x1xi32>
    %shift_right_logical3A_582 = arith.shrui %add3A_579, %shift_right_logical3A_581 : vector<128x1xi32>
    %ge3A_583 = vector.broadcast %shift_right_logical3A_582 : vector<128x1xi32> to vector<128x8192xi32>
    %ge3A_584 = arith.cmpi sge, %bitcast_convert_type3A, %ge3A_583 : vector<128x8192xi32>
    %jit3A_585 = arith.constant 1.000000e+00 : f32
    %jit3A_586 = arith.constant 0.000000e+00 : f32
    %broadcast_in_dim3A_587 = vector.broadcast %jit3A_585 : f32 to vector<128x8192xf32>
    %broadcast_in_dim3A_588 = vector.broadcast %jit3A_586 : f32 to vector<128x8192xf32>
    %select_n3A_589 = arith.select %ge3A_584, %broadcast_in_dim3A_587, %broadcast_in_dim3A_588 : vector<128x8192xi1>, vector<128x8192xf32>
    %reduce_sum3A_590 = arith.constant dense<0.000000e+00> : vector<128xf32>
    %reduce_sum3A_591 = vector.multi_reduction <add>, %select_n3A_589, %reduce_sum3A_590 [1] : vector<128x8192xf32> to vector<128xf32>
    %broadcast_in_dim3A_592 = vector.shape_cast %reduce_sum3A_591 : vector<128xf32> to vector<128x1xf32>
    %ge3A_593 = arith.constant 6.400000e+01 : f32
    %ge3A_594 = vector.broadcast %ge3A_593 : f32 to vector<128x1xf32>
    %ge3A_595 = arith.cmpf oge, %broadcast_in_dim3A_592, %ge3A_594 : vector<128x1xf32>
    %select_n3A_596 = arith.select %ge3A_595, %shift_right_logical3A_582, %select_n3A_576 : vector<128x1xi1>, vector<128x1xi32>
    %select_n3A_597 = arith.select %ge3A_595, %select_n3A_577, %shift_right_logical3A_582 : vector<128x1xi1>, vector<128x1xi32>
    %scan3A_598 = arith.constant 29 : i32
    %add3A_599 = arith.addi %select_n3A_596, %select_n3A_597 : vector<128x1xi32>
    %shift_right_logical3A_600 = arith.constant 1 : i32
    %shift_right_logical3A_601 = vector.broadcast %shift_right_logical3A_600 : i32 to vector<128x1xi32>
    %shift_right_logical3A_602 = arith.shrui %add3A_599, %shift_right_logical3A_601 : vector<128x1xi32>
    %ge3A_603 = vector.broadcast %shift_right_logical3A_602 : vector<128x1xi32> to vector<128x8192xi32>
    %ge3A_604 = arith.cmpi sge, %bitcast_convert_type3A, %ge3A_603 : vector<128x8192xi32>
    %jit3A_605 = arith.constant 1.000000e+00 : f32
    %jit3A_606 = arith.constant 0.000000e+00 : f32
    %broadcast_in_dim3A_607 = vector.broadcast %jit3A_605 : f32 to vector<128x8192xf32>
    %broadcast_in_dim3A_608 = vector.broadcast %jit3A_606 : f32 to vector<128x8192xf32>
    %select_n3A_609 = arith.select %ge3A_604, %broadcast_in_dim3A_607, %broadcast_in_dim3A_608 : vector<128x8192xi1>, vector<128x8192xf32>
    %reduce_sum3A_610 = arith.constant dense<0.000000e+00> : vector<128xf32>
    %reduce_sum3A_611 = vector.multi_reduction <add>, %select_n3A_609, %reduce_sum3A_610 [1] : vector<128x8192xf32> to vector<128xf32>
    %broadcast_in_dim3A_612 = vector.shape_cast %reduce_sum3A_611 : vector<128xf32> to vector<128x1xf32>
    %ge3A_613 = arith.constant 6.400000e+01 : f32
    %ge3A_614 = vector.broadcast %ge3A_613 : f32 to vector<128x1xf32>
    %ge3A_615 = arith.cmpf oge, %broadcast_in_dim3A_612, %ge3A_614 : vector<128x1xf32>
    %select_n3A_616 = arith.select %ge3A_615, %shift_right_logical3A_602, %select_n3A_596 : vector<128x1xi1>, vector<128x1xi32>
    %select_n3A_617 = arith.select %ge3A_615, %select_n3A_597, %shift_right_logical3A_602 : vector<128x1xi1>, vector<128x1xi32>
    %gt3A = vector.broadcast %select_n3A_616 : vector<128x1xi32> to vector<128x8192xi32>
    %gt3A_618 = arith.cmpi sgt, %bitcast_convert_type3A, %gt3A : vector<128x8192xi32>
    %jit3A_619 = arith.constant 1.000000e+00 : f32
    %jit3A_620 = arith.constant 0.000000e+00 : f32
    %broadcast_in_dim3A_621 = vector.broadcast %jit3A_619 : f32 to vector<128x8192xf32>
    %broadcast_in_dim3A_622 = vector.broadcast %jit3A_620 : f32 to vector<128x8192xf32>
    %select_n3A_623 = arith.select %gt3A_618, %broadcast_in_dim3A_621, %broadcast_in_dim3A_622 : vector<128x8192xi1>, vector<128x8192xf32>
    %reduce_sum3A_624 = arith.constant dense<0.000000e+00> : vector<128xf32>
    %reduce_sum3A_625 = vector.multi_reduction <add>, %select_n3A_623, %reduce_sum3A_624 [1] : vector<128x8192xf32> to vector<128xf32>
    %broadcast_in_dim3A_626 = vector.shape_cast %reduce_sum3A_625 : vector<128xf32> to vector<128x1xf32>
    %sub3A_627 = arith.constant 6.400000e+01 : f32
    %sub3A_628 = vector.broadcast %sub3A_627 : f32 to vector<128x1xf32>
    %sub3A_629 = arith.subf %sub3A_628, %broadcast_in_dim3A_626 : vector<128x1xf32>
    %eq3A = vector.broadcast %select_n3A_616 : vector<128x1xi32> to vector<128x8192xi32>
    %eq3A_630 = arith.cmpi eq, %bitcast_convert_type3A, %eq3A : vector<128x8192xi32>
    %jit3A_631 = arith.constant 1.000000e+00 : f32
    %jit3A_632 = arith.constant 0.000000e+00 : f32
    %broadcast_in_dim3A_633 = vector.broadcast %jit3A_631 : f32 to vector<128x8192xf32>
    %broadcast_in_dim3A_634 = vector.broadcast %jit3A_632 : f32 to vector<128x8192xf32>
    %select_n3A_635 = arith.select %eq3A_630, %broadcast_in_dim3A_633, %broadcast_in_dim3A_634 : vector<128x8192xi1>, vector<128x8192xf32>
    %reshape3A = vector.shape_cast %select_n3A_635 : vector<128x8192xf32> to vector<8192x128xf32>
    %iota3A = tpu.iota {dimensions = array<i32: 0>} : vector<128x128xi32>
    %iota3A_636 = tpu.iota {dimensions = array<i32: 1>} : vector<128x128xi32>
    %lt3A = arith.cmpi slt, %iota3A, %iota3A_636 : vector<128x128xi32>
    %jit3A_637 = arith.constant 1.000000e+00 : f32
    %jit3A_638 = arith.constant 0.000000e+00 : f32
    %broadcast_in_dim3A_639 = vector.broadcast %jit3A_637 : f32 to vector<128x128xf32>
    %broadcast_in_dim3A_640 = vector.broadcast %jit3A_638 : f32 to vector<128x128xf32>
    %select_n3A_641 = arith.select %lt3A, %broadcast_in_dim3A_639, %broadcast_in_dim3A_640 : vector<128x128xi1>, vector<128x128xf32>
    %dot_general3A_642 = arith.constant dense<0.000000e+00> : vector<8192x128xf32>
    %dot_general3A_643 = tpu.matmul %reshape3A, %select_n3A_641, %dot_general3A_642 {dimension_numbers = #tpu.dot_dimension_numbers<[1], [0], [0], [1], [0, 0, 1, 1], [], []>, transpose_lhs_hint = false} : vector<8192x128xf32>, vector<128x128xf32>, vector<8192x128xf32> -> vector<8192x128xf32>
    %reshape3A_644 = vector.shape_cast %dot_general3A_643 : vector<8192x128xf32> to vector<128x64x128xf32>
    %slice3A = vector.extract_strided_slice %reshape3A_644 {offsets = [0, 0, 127], sizes = [128, 64, 1], strides = [1, 1, 1]} : vector<128x64x128xf32> to vector<128x64x1xf32>
    %squeeze3A = vector.shape_cast %slice3A : vector<128x64x1xf32> to vector<128x64xf32>
    %reshape3A_645 = vector.shape_cast %select_n3A_635 : vector<128x8192xf32> to vector<128x64x128xf32>
    %slice3A_646 = vector.extract_strided_slice %reshape3A_645 {offsets = [0, 0, 127], sizes = [128, 64, 1], strides = [1, 1, 1]} : vector<128x64x128xf32> to vector<128x64x1xf32>
    %squeeze3A_647 = vector.shape_cast %slice3A_646 : vector<128x64x1xf32> to vector<128x64xf32>
    %add3A_648 = arith.addf %squeeze3A, %squeeze3A_647 : vector<128x64xf32>
    %iota3A_649 = tpu.iota {dimensions = array<i32: 0>} : vector<64x64xi32>
    %iota3A_650 = tpu.iota {dimensions = array<i32: 1>} : vector<64x64xi32>
    %lt3A_651 = arith.cmpi slt, %iota3A_649, %iota3A_650 : vector<64x64xi32>
    %jit3A_652 = arith.constant 1.000000e+00 : f32
    %jit3A_653 = arith.constant 0.000000e+00 : f32
    %broadcast_in_dim3A_654 = vector.broadcast %jit3A_652 : f32 to vector<64x64xf32>
    %broadcast_in_dim3A_655 = vector.broadcast %jit3A_653 : f32 to vector<64x64xf32>
    %select_n3A_656 = arith.select %lt3A_651, %broadcast_in_dim3A_654, %broadcast_in_dim3A_655 : vector<64x64xi1>, vector<64x64xf32>
    %dot_general3A_657 = arith.constant dense<0.000000e+00> : vector<128x64xf32>
    %dot_general3A_658 = tpu.matmul %add3A_648, %select_n3A_656, %dot_general3A_657 {dimension_numbers = #tpu.dot_dimension_numbers<[1], [0], [0], [1], [0, 0, 1, 1], [], []>, transpose_lhs_hint = false} : vector<128x64xf32>, vector<64x64xf32>, vector<128x64xf32> -> vector<128x64xf32>
    %broadcast_in_dim3A_659 = vector.shape_cast %dot_general3A_658 : vector<128x64xf32> to vector<128x64x1xf32>
    %add3A_660 = vector.broadcast %broadcast_in_dim3A_659 : vector<128x64x1xf32> to vector<128x64x128xf32>
    %add3A_661 = arith.addf %reshape3A_644, %add3A_660 : vector<128x64x128xf32>
    %reshape3A_662 = vector.shape_cast %add3A_661 : vector<128x64x128xf32> to vector<128x8192xf32>
    %lt3A_663 = vector.broadcast %sub3A_629 : vector<128x1xf32> to vector<128x8192xf32>
    %lt3A_664 = arith.cmpf olt, %reshape3A_662, %lt3A_663 : vector<128x8192xf32>
    %and3A = arith.andi %eq3A_630, %lt3A_664 : vector<128x8192xi1>
    %or3A = arith.ori %gt3A_618, %and3A : vector<128x8192xi1>
    %jit3A_665 = arith.constant 0.000000e+00 : f32
    %broadcast_in_dim3A_666 = vector.broadcast %jit3A_665 : f32 to vector<128x8192xf32>
    %select_n3A_667 = arith.select %or3A, %max3A_17, %broadcast_in_dim3A_666 : vector<128x8192xi1>, vector<128x8192xf32>
    %swap3A = arith.constant 0 : index
    %swap3A_668 = arith.constant 0 : index
    %swap3A_669 = vector.load %arg6[%swap3A, %swap3A_668] : memref<128x8192xf32, #tpu.memory_space<vmem>>, vector<128x8192xf32>
    tpu.vector_store %arg6[%swap3A, %swap3A_668], %select_n3A_667 {strides = array<i32>} : memref<128x8192xf32, #tpu.memory_space<vmem>>, vector<128x8192xf32>,
    return
  }
  func.func @transform_0(%arg0: i32) -> (i32, i32) {
    %c0_i32 = arith.constant 0 : i32
    %c0_i32_0 = arith.constant 0 : i32
    return %arg0, %c0_i32 : i32, i32
  }
  func.func @transform_1(%arg0: i32) -> (i32, i32) {
    %c0_i32 = arith.constant 0 : i32
    %c0_i32_0 = arith.constant 0 : i32
    return %arg0, %c0_i32 : i32, i32
  }
  func.func @transform_2(%arg0: i32) -> (i32, i32) {
    %c0_i32 = arith.constant 0 : i32
    %c0_i32_0 = arith.constant 0 : i32
    %c0_i32_1 = arith.constant 0 : i32
    return %c0_i32, %c0_i32_0 : i32, i32
  }
  func.func @transform_3(%arg0: i32) -> (i32, i32) {
    %c0_i32 = arith.constant 0 : i32
    %c0_i32_0 = arith.constant 0 : i32
    %c0_i32_1 = arith.constant 0 : i32
    return %c0_i32, %c0_i32_0 : i32, i32
  }
  func.func @transform_4(%arg0: i32) -> (i32, i32) {
    %c0_i32 = arith.constant 0 : i32
    %c0_i32_0 = arith.constant 0 : i32
    return %arg0, %c0_i32 : i32, i32
  }
  func.func @transform_5(%arg0: i32) -> (i32, i32) {
    %c0_i32 = arith.constant 0 : i32
    %c0_i32_0 = arith.constant 0 : i32
    return %arg0, %c0_i32 : i32, i32
  }
}

</mosaic_0001>

<sc_bundles>
// kernel: gather_offload_async_start.1
scs
__scs_entry_jumppad:
0x0: {  	(pc) =	sbr.rel $0x88, $3  }
0x1: {  	(tag) =	ssettag $0x0;
	lr =	simm.s32 $0x1  }
0x2: {  	[smem:$0x3F9A] =	sst lr;
	_ =	strace $0xD0000000  }
0x3: {  	_ = 	snop  }
0x4: {  	_ = 	snop  }
0x5: {  	_ = 	snop  }
0x6: {  	_ = 	snop  }
0x7: {  	_ = 	snop  }
__scs_overlays_trampoline_lowered:
0x8: {  	[smem:$0x3FA9] =	sst s0  }
0x9: {  	[smem:$0x3FAA] =	sst s1  }
0xa: {  	[smem:$0x3FAB] =	sst s2  }
0xb: {  	[smem:$0x3FAC] =	sst s3  }
0xc: {  	[smem:$0x3FAD] =	sst s4  }
0xd: {  	[smem:$0x3FAE] =	sst s5  }
0xe: {  	[smem:$0x3FAF] =	sst s6  }
0xf: {  	[smem:$0x3FB0] =	sst s7  }
0x10: {  	[smem:$0x3FB1] =	sst s8  }
0x11: {  	[smem:$0x3FB2] =	sst s9;
	s0 =	simm.s32 @!p0 $0x0  }
0x12: {  	s1 =	sld [smem:$0x3F98];
	s0 =	simm.s32 @p0 $0x1  }
0x13: {  	[smem:$0x3FB3] =	sst s0;
	s0 =	simm.s32 @!p1 $0x0  }
0x14: {  	s2 =	sld [smem:$0x3F97];
	s0 =	simm.s32 @p1 $0x1  }
0x15: {  	[smem:$0x3FB4] =	sst s0;
	s0 =	simm.s32 @!p2 $0x0  }
0x16: {  	s3 =	sld [smem:$0x3FDB];
	s0 =	simm.s32 @p2 $0x1  }
0x17: {  	s4 =	simm.s32 $0x1BF5;
	[smem:$0x3FB6] =	sst s0  }
0x18: {  	s0 =	sld [smem:$0x3F99];
	_ =	swait.ge [sflag:s4], $0x0  }
0x19: {  	s7 =	sld [smem:$0x3F9A]  }
0x1a: {  	s8 =	sadd.s32 $0xFFFFE003, lr  }
0x1b: {  	s9 =	sadd.s32 $0xFFFFFEF7, lr;
	s5 =	simm.s32 $0xFFFFFFFF;
	p2 =	slt.u32 s8, $0xFFFFF086  }
0x1c: {  	p1 =	slt.u32 s9, $0xF7A;
	s5 =	simm.s32 @!p2 $0x0  }
0x1d: {  	s5 =	simm.s32 @p1 $0x1;
	p0 =	seq.s32 s7, s2  }
0x1e: {  	s7 =	smul.u32 @!p0 $0xF7A, s2;
	p2 =	seq.s32 @!p0 s5, $0x0  }
0x1f: {  	s9 =	smul.u32 $0xF7A, s1;
	s8 =	simm.s32 @!p0 $0x1BF5;
	p2 =	por !p2, p0  }
0x20: {  	[sflag:s8] =	ssyncset.s32 @!p0 $0xFFFFF086;
	s6 =	sadd.s32 @!p0 s3, s7;
	s7 =	simm.s32 @!p0 $0x108  }
0x21: {  	s3 =	sadd.s32 s3, s9;
	s6 =	sadd.s32 @!p0 $0x88, s6;
	s7 =	simm.s32 @p2 $0x1082  }
0x22: {  	[simem:s7], [sflag:s8] =	dma.local @!p0 [hbm:s6], $0xF7A  }
0x23: {  	s9 =	sor.u32 $0xD0000000, s2;
	s6 =	simm.s32 $0x108;
	_ =	swait.ge @!p0 [sflag:s8], $0x0  }
0x24: {  	s3 =	sadd.s32 $0x88, s3;
	s6 =	simm.s32 @!p1 $0x1082;
	[sflag:s4] =	ssyncset.s32 $0xFFFFF086  }
0x25: {  	[simem:s6], [sflag:s4] =	dma.local [hbm:s3], $0xF7A  }
0x26: {  	[smem:$0x3F9A] =	sst s1;
	(tag) =	ssettag s2;
	_ =	strace s9  }
0x27: {  	s1 =	sld [smem:$0x3FAA]  }
0x28: {  	s2 =	sld [smem:$0x3FAB]  }
0x29: {  	s4 =	sld [smem:$0x3FAD]  }
0x2a: {  	p0 =	seq.s32 s5, $0x0;
	s5 =	sld [smem:$0x3FAE]  }
0x2b: {  	s6 =	sld [smem:$0x3FAF]  }
0x2c: {  	s7 =	sld [smem:$0x3FB0]  }
0x2d: {  	s3 =	simm.s32 $0x108;
	s8 =	sld [smem:$0x3FB1]  }
0x2e: {  	s3 =	simm.s32 @!p0 $0x1082;
	s9 =	sld [smem:$0x3FB2]  }
0x2f: {  	lr =	sadd.s32 s0, s3;
	s0 =	sld [smem:$0x3FA9]  }
0x30: {  	s3 =	sld [smem:$0x3FAC]  }
0x31: {  	[smem:$0x3FB5] =	sst s10  }
0x32: {  	s10 =	sld [smem:$0x3FB3];
	_ =	sdelay $0x3  }
0x33: {  	p0 =	seq.s32 s10, $0x1;
	s10 =	sld [smem:$0x3FB5];
	_ =	sdelay $0x3  }
0x34: {  	[smem:$0x3FB5] =	sst s10  }
0x35: {  	s10 =	sld [smem:$0x3FB4];
	_ =	sdelay $0x3  }
0x36: {  	p1 =	seq.s32 s10, $0x1;
	s10 =	sld [smem:$0x3FB5];
	_ =	sdelay $0x3  }
0x37: {  	[smem:$0x3FB5] =	sst s10  }
0x38: {  	s10 =	sld [smem:$0x3FB6]  }
0x39: {  	_ = 	snop;
	(pc) =	sbr.ind lr, $3  }
0x3a: {  	_ = 	snop  }
0x3b: {  	_ = 	snop  }
0x3c: {  	p2 =	seq.s32 s10, $0x1;
	s10 =	sld [smem:$0x3FB5]  }
0x3d: {  	_ =	shalt  }
0x3e: {  	_ =	shalt  }
0x3f: {  	_ =	shalt  }
0x40: {  	_ =	shalt  }
0x41: {  	_ =	shalt  }
0x42: {  	_ =	shalt  }
0x43: {  	_ =	shalt  }
0x44: {  	_ =	shalt  }
0x45: {  	_ =	shalt  }
0x46: {  	_ =	shalt  }
0x47: {  	_ =	shalt  }
0x48: {  	_ =	shalt  }
0x49: {  	_ =	shalt  }
0x4a: {  	_ =	shalt  }
0x4b: {  	_ =	shalt  }
0x4c: {  	_ =	shalt  }
0x4d: {  	_ =	shalt  }
0x4e: {  	_ =	shalt  }
0x4f: {  	_ =	shalt  }
0x50: {  	_ =	shalt  }
0x51: {  	_ =	shalt  }
0x52: {  	_ =	shalt  }
0x53: {  	_ =	shalt  }
0x54: {  	_ =	shalt  }
0x55: {  	_ =	shalt  }
0x56: {  	_ =	shalt  }
0x57: {  	_ =	shalt  }
0x58: {  	_ =	shalt  }
0x59: {  	_ =	shalt  }
0x5a: {  	_ =	shalt  }
0x5b: {  	_ =	shalt  }
0x5c: {  	_ =	shalt  }
0x5d: {  	_ =	shalt  }
0x5e: {  	_ =	shalt  }
0x5f: {  	_ =	shalt  }
0x60: {  	_ =	shalt  }
0x61: {  	_ =	shalt  }
0x62: {  	_ =	shalt  }
0x63: {  	_ =	shalt  }
0x64: {  	_ =	shalt  }
0x65: {  	_ =	shalt  }
0x66: {  	_ =	shalt  }
0x67: {  	_ =	shalt  }
0x68: {  	_ =	shalt  }
0x69: {  	_ =	shalt  }
0x6a: {  	_ =	shalt  }
0x6b: {  	_ =	shalt  }
0x6c: {  	_ =	shalt  }
0x6d: {  	_ =	shalt  }
0x6e: {  	_ =	shalt  }
0x6f: {  	_ =	shalt  }
0x70: {  	_ =	shalt  }
0x71: {  	_ =	shalt  }
0x72: {  	_ =	shalt  }
0x73: {  	_ =	shalt  }
0x74: {  	_ =	shalt  }
0x75: {  	_ =	shalt  }
0x76: {  	_ =	shalt  }
0x77: {  	_ =	shalt  }
0x78: {  	_ =	shalt  }
0x79: {  	_ =	shalt  }
0x7a: {  	_ =	shalt  }
0x7b: {  	_ =	shalt  }
0x7c: {  	_ =	shalt  }
0x7d: {  	_ =	shalt  }
0x7e: {  	_ =	shalt  }
0x7f: {  	_ =	shalt  }
0x80: {  	_ =	shalt  }
0x81: {  	_ =	shalt  }
0x82: {  	_ =	shalt  }
0x83: {  	_ =	shalt  }
0x84: {  	_ =	shalt  }
0x85: {  	_ =	shalt  }
0x86: {  	_ =	shalt  }
0x87: {  	_ =	shalt  }
.Lfunc_end0:
.L_simem_size_0:
called_computation.1_lowered:
.L_overlay_start_0:
0x88: {  	s2 =	sld [smem:$0x3FD9]  }
0x89: {  	s3 =	sld [smem:$0x3FFE];
	_ =	sdelay $0x1  }
0x8a: {  	s1 =	srdreg.scid  }
0x8b: {  	s0 =	sand.u32 $0x1, s1  }
0x8c: {  	s17 =	sshll.u32 s0, $0xA;
	s2 =	sadd.s32 s3, s2  }
0x8d: {  	s2 =	sadd.s32 s2, s17  }
0x8e: {  	[smem:$0x3FC1] =	sst s2  }
0x8f: {  	_ = 	snop  }
0x90: {  	s2 =	sld [smem:$0x3FD0];
	(tm) =	ssettm $0x1  }
0x91: {  	s18 =	sld [smem:$0x3FFB];
	_ =	sdelay $0x3  }
0x92: {  	_ =	strace s18  }
0x93: {  	s3 =	sld [smem:$0x3FFC];
	_ =	sdelay $0x3  }
0x94: {  	_ =	strace s3  }
0x95: {  	s3 =	sld [smem:$0x3FFD];
	_ =	sdelay $0x3  }
0x96: {  	_ =	strace s3  }
0x97: {  	_ =	strace $0x8FFFFFFF  }
0x98: {  	s19 =	sld [smem:$0x3FDB];
	_ =	sdelay $0x1  }
0x99: {  	s4 =	simm.s32 $_scs_section_size  }
0x9a: {  	s5 =	simm.s32 $_size__tile_overlayer_lowered;
	s6 =	simm.s32 $_tile_overlayer_lowered  }
0x9b: {  	s22 =	simm.s32 $0x1BFF;
	s21 =	sshll.u32 s6, $0x1;
	s3 =	sadd.s32 s4, s19  }
0x9c: {  	s7 =	simm.s32 $0x0;
	s20 =	sshll.u32 s5, $0x1;
	s5 =	sadd.s32 s21, s3  }
0x9d: {  	[timem:s7], [sflag:s22] =	dma.local [hbm:s5], s20  }
0x9e: {  	_ =	swait.ge [sflag:s22], s20  }
0x9f: {  	s4 =	ssub.s32 $0x0, s20;
	[sflag:s22] =	ssyncset.done $0x0  }
0xa0: {  	[sflag:s22] =	ssyncadd.s32 s4;
	_ =	sdelay $0x1  }
0xa1: {  	s23 =	simm.s32 $0x1B8B  }
0xa2: {  	_ =	swait.ge [sflag:s23], $0x1  }
0xa3: {  	[sflag:s23] =	ssyncset.done $0x0  }
0xa4: {  	s25 =	simm.s32 $0x1B8E;
	s24 =	sld [smem:$0x3FFE];
	[sflag:s23] =	ssyncadd.s32 $0xFFFFFFFF  }
0xa5: {  	s26 =	simm.s32 $execute0_lowered;
	[smem:$0x3FD2] =	sst s25  }
0xa6: {  	s5 =	sshll.u32 s26, $0x1;
	_ =	strace $0x80000046;
	[dreg:$0x1] =	wrdreg $0xFFFFFFFF  }
0xa7: {  	s28 =	simm.s32 $_size_execute0_lowered;
	s3 =	sadd.s32 s3, s5;
	[dreg:$0x0] =	wrdreg $0x0  }
0xa8: {  	s5 =	sshll.u32 s28, $0x1;
	[dreg:$0x2] =	wrdreg s3  }
0xa9: {  	[dreg:$0x3] =	wrdreg s5  }
0xaa: {  	[dreg:$0x4] =	wrdreg $0xC0  }
0xab: {  	_ =	task [dreg:s7], $0x5FFFF  }
0xac: {  	[dreg:$0x1] =	wrdreg $0xFFFFFFFF  }
0xad: {  	[dreg:$0x0] =	wrdreg $0x60  }
0xae: {  	[dreg:$0x2] =	wrdreg s2  }
0xaf: {  	[dreg:$0x3] =	wrdreg s24  }
0xb0: {  	[dreg:$0x4] =	wrdreg $0xA  }
0xb1: {  	_ =	task.clear_ibuf [dreg:s7], $0x5FFFF;
	_ =	strace $0x90000046  }
0xb2: {  	s29 =	simm.s32 $0xA;
	_ =	strace $0x80000048  }
0xb3: {  	_ =	swait.ge [sflag:s29], $0x1  }
0xb4: {  	[sflag:s29] =	ssyncadd.s32 $0xFFFFFFFF  }
0xb5: {  	_ =	strace $0x90000048  }
0xb6: {  	_ =	sfence  }
0xb7: {  	s30 =	sld [smem:$0x0];
	_ =	sdelay $0x2  }
0xb8: {  	s31 =	sshll.u32 s1, $0xD;
	s1 =	sshrl.u32 s1, $0x2  }
0xb9: {  	s3 =	sand.u32 $0x4000, s31;
	s1 =	sadd.s32 s1, s30  }
0xba: {  	s0 =	sor.u32 s3, s0;
	s1 =	sshll.u32 s1, $0x11  }
0xbb: {  	s0 =	sor.u32 s1, s0  }
0xbc: {  	s0 =	sadd.s32 $0x8F2B, s0  }
0xbd: {  	[sflag:s0] =	ssyncadd.remote.s32 $0x1  }
0xbe: {  	_ =	sfence.sel $0xFFFF  }
0xbf: {  	[dreg:$0x0] =	wrdreg $0xFFFFFFFF;
	(pc) =	sbr.abs _section_cstart, $3  }
0xc0: {  	[dreg:$0x1] =	wrdreg $0xFFFFFFFF  }
0xc1: {  	_ =	task.clear_ibuf [dreg:s7], $0x2FFFF;
	_ =	strace $0x9FFFFFFF  }
0xc2: {  	(tm) =	ssettm $0x7FFFFFFF  }
0xc3: {  	_ =	shalt  }
tec
execute0_lowered:
.L_overlay_start_1:
0x0: {  	(tag) =	ssettag $0x1  }
0x1: {  	s2 =	rddreg [dreg:$0x0]  }
0x2: {  	s7 =	rddreg [dreg:$0x1]  }
0x3: {  	s0 =	rddreg [dreg:$0x2]  }
0x4: {  	s1 =	srdreg.scid;
	_ =	strace $0x80000047;
	s4 =	simm.s32 $0x1  }
0x5: {  	s9 =	simm.s32 $0x3;
	s12 =	simm.s32 $0x0;
	s5 =	sshll.u32 s1, $0x4  }
.Ltmp0:
0x6: {  	s1 =	stileid.u32;
	s5 =	sand.u32 $0x10, s5;
	(pc) =	sbr.rel .LBB2_1-.Ltmp0, $4  }
0x7: {  	s10 =	simm.s32 $0x0;
	s3 =	sadd.s32 $0x1800, s7;
	s6 =	sor.u32 s1, s5  }
0x8: {  	[sflag:s4] =	ssyncpa.u1 $0x0;
	s5 =	simm.s32 $0x2;
	s6 =	sshll.u32 s6, $0x8  }
0x9: {  	s7 =	sadd.s32 $0x1C00, s7;
	[sflag:s5] =	ssyncpa.u1 $0x0;
	s8 =	sadd.s32 $0x100, s6  }
0xa: {  	vm0 =	vmmov $0xff;
	vm1 =	vcmask $0x3F20;
	[sflag:s9] =	ssyncpa.u1 $0x0;
	s9 =	simm.s32 $0x100;
	s11 =	smov.u32 s6  }
.LBB2_9:
0xb: {  	p0 =	seq.s32 s10, $0x2  }
.Ltmp1:
0xc: {  	_ = 	snop;
	(pc) =	sbr.rel @p0 .LBB2_11-.Ltmp1, $1  }
0xd: {  	_ =	sdelay $0x3  }
.LBB2_10:
0xe: {  	s12 =	sadd.s32 $0x100, s11  }
0xf: {  	s13 =	smov.u32 s6;
	p0 =	slt.s32 s12, s8  }
0x10: {  	s13 =	smov.u32 @p0 s12  }
0x11: {  	s10 =	sadd.s32 $0x1, s10;
	s12 =	smov.u32 s11;
	s11 =	smov.u32 s13  }
.LBB2_1:
0x12: {  	p0 =	sne.s32 s10, $0x0  }
.Ltmp2:
0x13: {  	_ = 	snop;
	(pc) =	sbr.rel @!p0 .LBB2_2-.Ltmp2, $1  }
0x14: {  	_ =	sdelay $0x3  }
0x15: {  	s13 =	sand.u32 $0x1, s10  }
0x16: {  	p0 =	seq.s32 s13, $0x0  }
.Ltmp3:
0x17: {  	_ = 	snop;
	(pc) =	sbr.rel @p0 .LBB2_9-.Ltmp3, $1  }
0x18: {  	_ =	sdelay $0x3  }
0x19: {  	_ =	swait.ge [sflag:s5], $0x100  }
0x1a: {  	[sflag:s5] =	ssyncset.done $0x0  }
0x1b: {  	s13 =	simm.s32 $0x0;
	[sflag:s5] =	ssyncadd.s32 $0xFFFFFF00  }
0x1c: {  	v0 =	vld.msk [tilespmem:s13+$0x100 ss:$0x1], $0xffff;
	_ =	sdelay $0x4  }
0x1d: {  	vm2 =	vgt.s32 v0, $0x0  }
0x1e: {  	v0 =	vnsel vm2, $0x0, v0  }
0x1f: {  	v0 =	vmin.u32 v0, $0x1FFF  }
0x20: {  	v0 =	vshll.u32 v0, $0x4;
	_ =	sdelay $0x3  }
0x21: {  	s13 =	simm.s32 $0x8200  }
0x22: {  	[tilespmem:s13], [sflag:$0x1] =	stream.indirect_vreg.gather [hbm:s2], $0x80, v0, vm0, $0x38;
	[tilespmem:$0x10200] =	vst v63  }
0x23: {  	s14 =	simm.s32 $0x8600;
	s31 =	simm.s32 $0x10  }
0x24: {  	[tilespmem:s14], [sflag:$0x1] =	stream.indirect_vreg.gather [hbm:s2], $0x80, v0, vm1, $0x38;
	[tilespmem:$0x10200] =	vst v63  }
0x25: {  	s14 =	simm.s32 $0x80;
	v0 =	vld.msk [tilespmem:s31+$0x100 ss:$0x1], $0xffff  }
.LBB2_5:
0x26: {  	p0 =	sne.s32 s14, $0x3C0;
	_ =	sdelay $0x4  }
0x27: {  	vm2 =	vgt.s32 v0, $0x0  }
0x28: {  	v0 =	vnsel vm2, $0x0, v0  }
0x29: {  	v0 =	vmin.u32 v0, $0x1FFF  }
0x2a: {  	v0 =	vshll.u32 v0, $0x4;
	_ =	sdelay $0x3  }
.Ltmp4:
0x2b: {  	s13 =	sadd.s32 $0x800, s13;
	(pc) =	sbr.rel @p0 .LBB2_5-.Ltmp4, $4  }
0x2c: {  	[tilespmem:s13], [sflag:$0x1] =	stream.indirect_vreg.gather [hbm:s2], $0x80, v0, vm0, $0x38;
	[tilespmem:$0x10200] =	vst v63  }
0x2d: {  	s15 =	sshra.s32 s14, $0x2;
	s16 =	sadd.s32 $0x400, s13  }
0x2e: {  	[tilespmem:s16], [sflag:$0x1] =	stream.indirect_vreg.gather [hbm:s2], $0x80, v0, vm1, $0x38;
	[tilespmem:$0x10200] =	vst v63  }
0x2f: {  	s14 =	sadd.s32 $0x40, s14;
	v0 =	vld.msk [tilespmem:s15+$0x100 ss:$0x1], $0xffff  }
0x30: {  	_ =	sdelay $0x3  }
0x31: {  	vm2 =	vgt.s32 v0, $0x0  }
0x32: {  	v0 =	vnsel vm2, $0x0, v0  }
0x33: {  	v0 =	vmin.u32 v0, $0x1FFF  }
0x34: {  	v0 =	vshll.u32 v0, $0x4;
	_ =	sdelay $0x3  }
0x35: {  	s13 =	sadd.s32 $0x800, s13  }
0x36: {  	[tilespmem:s13], [sflag:$0x1] =	stream.indirect_vreg.gather [hbm:s2], $0x80, v0, vm0, $0x38;
	[tilespmem:$0x10200] =	vst v63  }
0x37: {  	s13 =	sadd.s32 $0x400, s13  }
0x38: {  	[tilespmem:s13], [sflag:$0x1] =	stream.indirect_vreg.gather [hbm:s2], $0x80, v0, vm1, $0x38;
	[tilespmem:$0x10200] =	vst v63  }
0x39: {  	s12 =	sshll.u32 s12, $0x4;
	s14 =	simm.s32 $0x80;
	_ =	swait.ge [sflag:s4], $0x8000  }
0x3a: {  	s15 =	simm.s32 $0x8600;
	s12 =	sadd.s32 s12, s7;
	[sflag:s4] =	ssyncset.done $0x0  }
0x3b: {  	s16 =	sadd.s32 $0x0, s12;
	s13 =	simm.s32 $0x8200;
	[sflag:s4] =	ssyncadd.s32 $0xFFFF8000  }
.LBB2_7:
0x3c: {  	[hbm:s16] =	stream.linear.scatter [tilespmem:s13], [sflag:$0x3], $0x400, $0x38;
	[tilespmem:$0x10200] =	vst v63  }
0x3d: {  	s16 =	smov.u32 s14;
	s13 =	smov.u32 s15;
	p0 =	sne.s32 s14, $0xF80  }
.Ltmp5:
0x3e: {  	s14 =	sadd.s32 $0x80, s14;
	(pc) =	sbr.rel @p0 .LBB2_7-.Ltmp5, $2  }
0x3f: {  	_ =	sdelay $0x2  }
0x40: {  	s15 =	sadd.s32 $0x400, s15;
	s16 =	sadd.s32 s16, s12  }
.Ltmp6:
0x41: {  	(pc) =	sbr.rel .LBB2_9-.Ltmp6, $2  }
0x42: {  	_ =	sdelay $0x2  }
0x43: {  	[hbm:s16] =	stream.linear.scatter [tilespmem:s13], [sflag:$0x3], $0x400, $0x38;
	[tilespmem:$0x10200] =	vst v63  }
.LBB2_2:
.Ltmp7:
0x44: {  	(pc) =	sbr.rel .LBB2_10-.Ltmp7, $4  }
0x45: {  	_ = 	snop  }
0x46: {  	s12 =	sshrl.u32 s11, $0x3  }
0x47: {  	s13 =	sand.u32 $0x7, s11;
	s12 =	sadd.s32 s3, s12  }
0x48: {  	[tilespmem:s9], [sflag:$0x2] =	stream.linear.gather [hbm4b:s12+s13], $0x100, $0x38;
	[tilespmem:$0x10200] =	vst v63  }
.LBB2_11:
0x49: {  	s2 =	simm.s32 $0x3  }
0x4a: {  	_ =	swait.ge [sflag:s2], $0x8000  }
0x4b: {  	[sflag:s2] =	ssyncset.done $0x0  }
0x4c: {  	[sflag:s2] =	ssyncadd.s32 $0xFFFF8000  }
0x4d: {  	_ =	sfence.sel $0x180000  }
0x4e: {  	s3 =	simm.s32 $0x2;
	[bflag:$0x0] =	sbarrier.arrive $0xFFFF  }
0x4f: {  	[sflag:s3] =	ssyncpa.u1 $0x1  }
0x50: {  	s31 =	simm.s32 $0x1;
	[sflag:s2] =	ssyncpa.u1 $0x1  }
0x51: {  	[sflag:s31] =	ssyncpa.u1 $0x1  }
0x52: {  	p0 =	sne.s32 s1, $0x0;
	_ =	strace $0x90000047  }
0x53: {  	s0 =	sadd.s32 @!p0 $0x100000, s0;
	[bflag:$0x2] =	sbarrier.arrive $0xFFFF  }
0x54: {  	[sflag:s0] =	ssyncadd.tile.s32 @!p0 $0x1;
	_ =	shalt  }
.Lfunc_end2:
_tile_overlayer_lowered:
.L_overlay_start_2:
0x55: {  	(tag) =	ssettag $0x2  }
0x56: {  	s0 =	rddreg [dreg:$0x0];
	s2 =	stileid.u32  }
0x57: {  	s1 =	rddreg [dreg:$0x1];
	p0 =	sne.s32 s2, $0x0  }
0x58: {  	s3 =	rddreg [dreg:$0x2];
	[bflag:$0x3] =	sbarrier.arrive $0xFFFF;
	s2 =	simm.s32 @!p0 $0x1C01  }
0x59: {  	[timem:s3], [sflag:s2] =	dma.local @!p0 [hbm:s0], s1  }
0x5a: {  	s0 =	simm.s32 @!p0 $0x1  }
0x5b: {  	_ =	swait.ge @!p0 [sflag:s0], s1  }
0x5c: {  	s1 =	ssub.s32 @!p0 $0x0, s1;
	[sflag:s0] =	ssyncset.done @!p0 $0x0  }
0x5d: {  	[sflag:s0] =	ssyncadd.s32 @!p0 s1  }
0x5e: {  	[bflag:$0x3] =	sbarrier.arrive $0xFFFF  }
0x5f: {  	_ =	shalt  }

// kernel: gather_offload_async_start
scs
__scs_entry_jumppad:
0x0: {  	(pc) =	sbr.rel $0x88, $3  }
0x1: {  	(tag) =	ssettag $0x0;
	lr =	simm.s32 $0x1  }
0x2: {  	[smem:$0x3F9A] =	sst lr;
	_ =	strace $0xD0000000  }
0x3: {  	_ = 	snop  }
0x4: {  	_ = 	snop  }
0x5: {  	_ = 	snop  }
0x6: {  	_ = 	snop  }
0x7: {  	_ = 	snop  }
__scs_overlays_trampoline_lowered:
0x8: {  	[smem:$0x3FA9] =	sst s0  }
0x9: {  	[smem:$0x3FAA] =	sst s1  }
0xa: {  	[smem:$0x3FAB] =	sst s2  }
0xb: {  	[smem:$0x3FAC] =	sst s3  }
0xc: {  	[smem:$0x3FAD] =	sst s4  }
0xd: {  	[smem:$0x3FAE] =	sst s5  }
0xe: {  	[smem:$0x3FAF] =	sst s6  }
0xf: {  	[smem:$0x3FB0] =	sst s7  }
0x10: {  	[smem:$0x3FB1] =	sst s8  }
0x11: {  	[smem:$0x3FB2] =	sst s9;
	s0 =	simm.s32 @!p0 $0x0  }
0x12: {  	s1 =	sld [smem:$0x3F98];
	s0 =	simm.s32 @p0 $0x1  }
0x13: {  	[smem:$0x3FB3] =	sst s0;
	s0 =	simm.s32 @!p1 $0x0  }
0x14: {  	s2 =	sld [smem:$0x3F97];
	s0 =	simm.s32 @p1 $0x1  }
0x15: {  	[smem:$0x3FB4] =	sst s0;
	s0 =	simm.s32 @!p2 $0x0  }
0x16: {  	s3 =	sld [smem:$0x3FDB];
	s0 =	simm.s32 @p2 $0x1  }
0x17: {  	s4 =	simm.s32 $0x1BF5;
	[smem:$0x3FB6] =	sst s0  }
0x18: {  	s0 =	sld [smem:$0x3F99];
	_ =	swait.ge [sflag:s4], $0x0  }
0x19: {  	s7 =	sld [smem:$0x3F9A]  }
0x1a: {  	s8 =	sadd.s32 $0xFFFFE003, lr  }
0x1b: {  	s9 =	sadd.s32 $0xFFFFFEF7, lr;
	s5 =	simm.s32 $0xFFFFFFFF;
	p2 =	slt.u32 s8, $0xFFFFF086  }
0x1c: {  	p1 =	slt.u32 s9, $0xF7A;
	s5 =	simm.s32 @!p2 $0x0  }
0x1d: {  	s5 =	simm.s32 @p1 $0x1;
	p0 =	seq.s32 s7, s2  }
0x1e: {  	s7 =	smul.u32 @!p0 $0xF7A, s2;
	p2 =	seq.s32 @!p0 s5, $0x0  }
0x1f: {  	s9 =	smul.u32 $0xF7A, s1;
	s8 =	simm.s32 @!p0 $0x1BF5;
	p2 =	por !p2, p0  }
0x20: {  	[sflag:s8] =	ssyncset.s32 @!p0 $0xFFFFF086;
	s6 =	sadd.s32 @!p0 s3, s7;
	s7 =	simm.s32 @!p0 $0x108  }
0x21: {  	s3 =	sadd.s32 s3, s9;
	s6 =	sadd.s32 @!p0 $0x88, s6;
	s7 =	simm.s32 @p2 $0x1082  }
0x22: {  	[simem:s7], [sflag:s8] =	dma.local @!p0 [hbm:s6], $0xF7A  }
0x23: {  	s9 =	sor.u32 $0xD0000000, s2;
	s6 =	simm.s32 $0x108;
	_ =	swait.ge @!p0 [sflag:s8], $0x0  }
0x24: {  	s3 =	sadd.s32 $0x88, s3;
	s6 =	simm.s32 @!p1 $0x1082;
	[sflag:s4] =	ssyncset.s32 $0xFFFFF086  }
0x25: {  	[simem:s6], [sflag:s4] =	dma.local [hbm:s3], $0xF7A  }
0x26: {  	[smem:$0x3F9A] =	sst s1;
	(tag) =	ssettag s2;
	_ =	strace s9  }
0x27: {  	s1 =	sld [smem:$0x3FAA]  }
0x28: {  	s2 =	sld [smem:$0x3FAB]  }
0x29: {  	s4 =	sld [smem:$0x3FAD]  }
0x2a: {  	p0 =	seq.s32 s5, $0x0;
	s5 =	sld [smem:$0x3FAE]  }
0x2b: {  	s6 =	sld [smem:$0x3FAF]  }
0x2c: {  	s7 =	sld [smem:$0x3FB0]  }
0x2d: {  	s3 =	simm.s32 $0x108;
	s8 =	sld [smem:$0x3FB1]  }
0x2e: {  	s3 =	simm.s32 @!p0 $0x1082;
	s9 =	sld [smem:$0x3FB2]  }
0x2f: {  	lr =	sadd.s32 s0, s3;
	s0 =	sld [smem:$0x3FA9]  }
0x30: {  	s3 =	sld [smem:$0x3FAC]  }
0x31: {  	[smem:$0x3FB5] =	sst s10  }
0x32: {  	s10 =	sld [smem:$0x3FB3];
	_ =	sdelay $0x3  }
0x33: {  	p0 =	seq.s32 s10, $0x1;
	s10 =	sld [smem:$0x3FB5];
	_ =	sdelay $0x3  }
0x34: {  	[smem:$0x3FB5] =	sst s10  }
0x35: {  	s10 =	sld [smem:$0x3FB4];
	_ =	sdelay $0x3  }
0x36: {  	p1 =	seq.s32 s10, $0x1;
	s10 =	sld [smem:$0x3FB5];
	_ =	sdelay $0x3  }
0x37: {  	[smem:$0x3FB5] =	sst s10  }
0x38: {  	s10 =	sld [smem:$0x3FB6]  }
0x39: {  	_ = 	snop;
	(pc) =	sbr.ind lr, $3  }
0x3a: {  	_ = 	snop  }
0x3b: {  	_ = 	snop  }
0x3c: {  	p2 =	seq.s32 s10, $0x1;
	s10 =	sld [smem:$0x3FB5]  }
0x3d: {  	_ =	shalt  }
0x3e: {  	_ =	shalt  }
0x3f: {  	_ =	shalt  }
0x40: {  	_ =	shalt  }
0x41: {  	_ =	shalt  }
0x42: {  	_ =	shalt  }
0x43: {  	_ =	shalt  }
0x44: {  	_ =	shalt  }
0x45: {  	_ =	shalt  }
0x46: {  	_ =	shalt  }
0x47: {  	_ =	shalt  }
0x48: {  	_ =	shalt  }
0x49: {  	_ =	shalt  }
0x4a: {  	_ =	shalt  }
0x4b: {  	_ =	shalt  }
0x4c: {  	_ =	shalt  }
0x4d: {  	_ =	shalt  }
0x4e: {  	_ =	shalt  }
0x4f: {  	_ =	shalt  }
0x50: {  	_ =	shalt  }
0x51: {  	_ =	shalt  }
0x52: {  	_ =	shalt  }
0x53: {  	_ =	shalt  }
0x54: {  	_ =	shalt  }
0x55: {  	_ =	shalt  }
0x56: {  	_ =	shalt  }
0x57: {  	_ =	shalt  }
0x58: {  	_ =	shalt  }
0x59: {  	_ =	shalt  }
0x5a: {  	_ =	shalt  }
0x5b: {  	_ =	shalt  }
0x5c: {  	_ =	shalt  }
0x5d: {  	_ =	shalt  }
0x5e: {  	_ =	shalt  }
0x5f: {  	_ =	shalt  }
0x60: {  	_ =	shalt  }
0x61: {  	_ =	shalt  }
0x62: {  	_ =	shalt  }
0x63: {  	_ =	shalt  }
0x64: {  	_ =	shalt  }
0x65: {  	_ =	shalt  }
0x66: {  	_ =	shalt  }
0x67: {  	_ =	shalt  }
0x68: {  	_ =	shalt  }
0x69: {  	_ =	shalt  }
0x6a: {  	_ =	shalt  }
0x6b: {  	_ =	shalt  }
0x6c: {  	_ =	shalt  }
0x6d: {  	_ =	shalt  }
0x6e: {  	_ =	shalt  }
0x6f: {  	_ =	shalt  }
0x70: {  	_ =	shalt  }
0x71: {  	_ =	shalt  }
0x72: {  	_ =	shalt  }
0x73: {  	_ =	shalt  }
0x74: {  	_ =	shalt  }
0x75: {  	_ =	shalt  }
0x76: {  	_ =	shalt  }
0x77: {  	_ =	shalt  }
0x78: {  	_ =	shalt  }
0x79: {  	_ =	shalt  }
0x7a: {  	_ =	shalt  }
0x7b: {  	_ =	shalt  }
0x7c: {  	_ =	shalt  }
0x7d: {  	_ =	shalt  }
0x7e: {  	_ =	shalt  }
0x7f: {  	_ =	shalt  }
0x80: {  	_ =	shalt  }
0x81: {  	_ =	shalt  }
0x82: {  	_ =	shalt  }
0x83: {  	_ =	shalt  }
0x84: {  	_ =	shalt  }
0x85: {  	_ =	shalt  }
0x86: {  	_ =	shalt  }
0x87: {  	_ =	shalt  }
.Lfunc_end0:
.L_simem_size_0:
called_computation_lowered:
.L_overlay_start_0:
0x88: {  	s2 =	sld [smem:$0x3FD9]  }
0x89: {  	s3 =	sld [smem:$0x3FFE];
	_ =	sdelay $0x1  }
0x8a: {  	s1 =	srdreg.scid  }
0x8b: {  	s0 =	sand.u32 $0x1, s1  }
0x8c: {  	s17 =	sshll.u32 s0, $0xA;
	s2 =	sadd.s32 s3, s2  }
0x8d: {  	s2 =	sadd.s32 s2, s17  }
0x8e: {  	[smem:$0x3FC1] =	sst s2  }
0x8f: {  	_ = 	snop  }
0x90: {  	(tm) =	ssettm $0x1  }
0x91: {  	s18 =	sld [smem:$0x3FFB];
	_ =	sdelay $0x3  }
0x92: {  	_ =	strace s18  }
0x93: {  	s2 =	sld [smem:$0x3FFC];
	_ =	sdelay $0x3  }
0x94: {  	_ =	strace s2  }
0x95: {  	s2 =	sld [smem:$0x3FFD];
	_ =	sdelay $0x3  }
0x96: {  	_ =	strace s2  }
0x97: {  	_ =	strace $0x8FFFFFFF  }
0x98: {  	s19 =	sld [smem:$0x3FDB];
	_ =	sdelay $0x1  }
0x99: {  	s20 =	simm.s32 $_scs_section_size  }
0x9a: {  	s4 =	simm.s32 $_size__tile_overlayer_lowered;
	s5 =	simm.s32 $_tile_overlayer_lowered  }
0x9b: {  	s6 =	simm.s32 $0x1BFF;
	s21 =	sshll.u32 s5, $0x1;
	s3 =	sadd.s32 s20, s19  }
0x9c: {  	s22 =	simm.s32 $0x0;
	s4 =	sshll.u32 s4, $0x1;
	s5 =	sadd.s32 s21, s3  }
0x9d: {  	[timem:s22], [sflag:s6] =	dma.local [hbm:s5], s4  }
0x9e: {  	_ =	swait.ge [sflag:s6], s4  }
0x9f: {  	s4 =	ssub.s32 $0x0, s4;
	[sflag:s6] =	ssyncset.done $0x0  }
0xa0: {  	[sflag:s6] =	ssyncadd.s32 s4;
	_ =	sdelay $0x1  }
0xa1: {  	s23 =	simm.s32 $0x1B8B  }
0xa2: {  	_ =	swait.ge [sflag:s23], $0x1  }
0xa3: {  	[sflag:s23] =	ssyncset.done $0x0  }
0xa4: {  	[sflag:s23] =	ssyncadd.s32 $0xFFFFFFFF  }
0xa5: {  	s4 =	sld [smem:$0x0]  }
0xa6: {  	s5 =	sand.u32 $0xFFFFFFFE, s1  }
0xa7: {  	p0 =	sne.s32 s1, s5  }
0xa8: {  	s5 =	sshll.u32 @p0 s5, $0xE  }
0xa9: {  	s5 =	sadd.s32 @p0 $0x11B8D, s5;
	s6 =	sshll.u32 @p0 s4, $0x11  }
0xaa: {  	s5 =	sor.u32 @p0 s6, s5  }
0xab: {  	[sflag:s5] =	ssyncadd.remote.s32 @p0 $0x1;
	_ =	sdelay $0x1  }
0xac: {  	s5 =	simm.s32 @p0 $0x1B8D  }
0xad: {  	_ =	swait.eq @p0 [sflag:s5], $0x1  }
0xae: {  	[sflag:s5] =	ssyncadd.s32 @p0 $0xFFFFFFFF  }
0xaf: {  	s6 =	sshll.u32 @!p0 s1, $0xE  }
0xb0: {  	s6 =	sor.u32 @!p0 $0x4000, s6;
	s5 =	simm.s32 @!p0 $0x1B8D  }
0xb1: {  	s4 =	sshll.u32 @!p0 s4, $0x11;
	s6 =	sadd.s32 @!p0 $0x11B8D, s6;
	_ =	swait.eq @!p0 [sflag:s5], $0x1  }
0xb2: {  	s4 =	sor.u32 @!p0 s4, s6;
	[sflag:s5] =	ssyncadd.s32 @!p0 $0xFFFFFFFF  }
0xb3: {  	s25 =	simm.s32 $0x1B8E;
	s24 =	sld [smem:$0x3FFE];
	[sflag:s4] =	ssyncadd.remote.s32 @!p0 $0x1  }
0xb4: {  	s26 =	simm.s32 $execute0_lowered;
	[smem:$0x3FD2] =	sst s25  }
0xb5: {  	s5 =	sshll.u32 s26, $0x1;
	_ =	strace $0x80000049;
	[dreg:$0x1] =	wrdreg $0xFFFFFFFF  }
0xb6: {  	s28 =	simm.s32 $_size_execute0_lowered;
	s3 =	sadd.s32 s3, s5;
	[dreg:$0x0] =	wrdreg $0x0  }
0xb7: {  	s5 =	sshll.u32 s28, $0x1;
	[dreg:$0x2] =	wrdreg s3  }
0xb8: {  	[dreg:$0x3] =	wrdreg s5  }
0xb9: {  	[dreg:$0x4] =	wrdreg $0xC0  }
0xba: {  	_ =	task [dreg:s22], $0x5FFFF  }
0xbb: {  	[dreg:$0x1] =	wrdreg $0xFFFFFFFF  }
0xbc: {  	[dreg:$0x0] =	wrdreg $0x60  }
0xbd: {  	[dreg:$0x2] =	wrdreg s24  }
0xbe: {  	[dreg:$0x3] =	wrdreg $0x9  }
0xbf: {  	_ =	task.clear_ibuf [dreg:s22], $0x4FFFF;
	_ =	strace $0x90000049  }
0xc0: {  	s29 =	simm.s32 $0x9;
	_ =	strace $0x8000004B  }
0xc1: {  	_ =	swait.ge [sflag:s29], $0x1  }
0xc2: {  	[sflag:s29] =	ssyncadd.s32 $0xFFFFFFFF  }
0xc3: {  	_ =	strace $0x9000004B  }
0xc4: {  	_ =	sfence  }
0xc5: {  	s30 =	sld [smem:$0x0];
	_ =	sdelay $0x2  }
0xc6: {  	s31 =	sshll.u32 s1, $0xD;
	s1 =	sshrl.u32 s1, $0x2  }
0xc7: {  	s4 =	sand.u32 $0x4000, s31;
	s1 =	sadd.s32 s1, s30  }
0xc8: {  	s0 =	sor.u32 s4, s0;
	s1 =	sshll.u32 s1, $0x11  }
0xc9: {  	s0 =	sor.u32 s1, s0  }
0xca: {  	s0 =	sadd.s32 $0x8F2B, s0  }
0xcb: {  	[sflag:s0] =	ssyncadd.remote.s32 $0x1  }
0xcc: {  	_ =	sfence.sel $0xFFFF  }
0xcd: {  	[dreg:$0x0] =	wrdreg $0xFFFFFFFF;
	(pc) =	sbr.abs _section_cstart, $3  }
0xce: {  	[dreg:$0x1] =	wrdreg $0xFFFFFFFF  }
0xcf: {  	_ =	task.clear_ibuf [dreg:s22], $0x2FFFF;
	_ =	strace $0x9FFFFFFF  }
0xd0: {  	(tm) =	ssettm $0x7FFFFFFF  }
0xd1: {  	_ =	shalt  }
tec
execute0_lowered:
.L_overlay_start_1:
0x0: {  	(tag) =	ssettag $0x1  }
0x1: {  	s7 =	rddreg [dreg:$0x0]  }
0x2: {  	s0 =	rddreg [dreg:$0x1];
	_ =	strace $0x8000004A  }
0x3: {  	s1 =	srdreg.scid;
	s4 =	simm.s32 $0x1;
	s9 =	simm.s32 $0x3  }
0x4: {  	s12 =	simm.s32 $0x0;
	s10 =	simm.s32 $0x0;
	s5 =	sshll.u32 s1, $0x4  }
.Ltmp0:
0x5: {  	s1 =	stileid.u32;
	s5 =	sand.u32 $0x10, s5;
	(pc) =	sbr.rel .LBB2_1-.Ltmp0, $4  }
0x6: {  	s2 =	sadd.s32 $0x21C00, s7;
	s3 =	sadd.s32 $0x1800, s7;
	s6 =	sor.u32 s1, s5  }
0x7: {  	[sflag:s4] =	ssyncpa.u1 $0x0;
	s5 =	simm.s32 $0x2;
	s6 =	sshll.u32 s6, $0x8  }
0x8: {  	s7 =	sadd.s32 $0x41C00, s7;
	[sflag:s5] =	ssyncpa.u1 $0x0;
	s8 =	sadd.s32 $0x100, s6  }
0x9: {  	vm0 =	vmmov $0xff;
	vm1 =	vcmask $0x3F20;
	[sflag:s9] =	ssyncpa.u1 $0x0;
	s9 =	simm.s32 $0x100;
	s11 =	smov.u32 s6  }
.LBB2_9:
0xa: {  	p0 =	seq.s32 s10, $0x2  }
.Ltmp1:
0xb: {  	_ = 	snop;
	(pc) =	sbr.rel @p0 .LBB2_11-.Ltmp1, $1  }
0xc: {  	_ =	sdelay $0x3  }
.LBB2_10:
0xd: {  	s12 =	sadd.s32 $0x100, s11  }
0xe: {  	s13 =	smov.u32 s6;
	p0 =	slt.s32 s12, s8  }
0xf: {  	s13 =	smov.u32 @p0 s12  }
0x10: {  	s10 =	sadd.s32 $0x1, s10;
	s12 =	smov.u32 s11;
	s11 =	smov.u32 s13  }
.LBB2_1:
0x11: {  	p0 =	sne.s32 s10, $0x0  }
.Ltmp2:
0x12: {  	_ = 	snop;
	(pc) =	sbr.rel @!p0 .LBB2_2-.Ltmp2, $1  }
0x13: {  	_ =	sdelay $0x3  }
0x14: {  	s13 =	sand.u32 $0x1, s10  }
0x15: {  	p0 =	seq.s32 s13, $0x0  }
.Ltmp3:
0x16: {  	_ = 	snop;
	(pc) =	sbr.rel @p0 .LBB2_9-.Ltmp3, $1  }
0x17: {  	_ =	sdelay $0x3  }
0x18: {  	_ =	swait.ge [sflag:s5], $0x100  }
0x19: {  	[sflag:s5] =	ssyncset.done $0x0  }
0x1a: {  	s13 =	simm.s32 $0x0;
	[sflag:s5] =	ssyncadd.s32 $0xFFFFFF00  }
0x1b: {  	v0 =	vld.msk [tilespmem:s13+$0x100 ss:$0x1], $0xffff;
	_ =	sdelay $0x4  }
0x1c: {  	vm2 =	vgt.s32 v0, $0x0  }
0x1d: {  	v0 =	vnsel vm2, $0x0, v0  }
0x1e: {  	v0 =	vmin.u32 v0, $0x1FFF  }
0x1f: {  	v0 =	vshll.u32 v0, $0x4;
	_ =	sdelay $0x3  }
0x20: {  	s13 =	simm.s32 $0x8200  }
0x21: {  	[tilespmem:s13], [sflag:$0x1] =	stream.indirect_vreg.gather [hbm:s2], $0x80, v0, vm0, $0x38;
	[tilespmem:$0x10200] =	vst v63  }
0x22: {  	s14 =	simm.s32 $0x8600;
	s31 =	simm.s32 $0x10  }
0x23: {  	[tilespmem:s14], [sflag:$0x1] =	stream.indirect_vreg.gather [hbm:s2], $0x80, v0, vm1, $0x38;
	[tilespmem:$0x10200] =	vst v63  }
0x24: {  	s14 =	simm.s32 $0x80;
	v0 =	vld.msk [tilespmem:s31+$0x100 ss:$0x1], $0xffff  }
.LBB2_5:
0x25: {  	p0 =	sne.s32 s14, $0x3C0;
	_ =	sdelay $0x4  }
0x26: {  	vm2 =	vgt.s32 v0, $0x0  }
0x27: {  	v0 =	vnsel vm2, $0x0, v0  }
0x28: {  	v0 =	vmin.u32 v0, $0x1FFF  }
0x29: {  	v0 =	vshll.u32 v0, $0x4;
	_ =	sdelay $0x3  }
.Ltmp4:
0x2a: {  	s13 =	sadd.s32 $0x800, s13;
	(pc) =	sbr.rel @p0 .LBB2_5-.Ltmp4, $4  }
0x2b: {  	[tilespmem:s13], [sflag:$0x1] =	stream.indirect_vreg.gather [hbm:s2], $0x80, v0, vm0, $0x38;
	[tilespmem:$0x10200] =	vst v63  }
0x2c: {  	s15 =	sshra.s32 s14, $0x2;
	s16 =	sadd.s32 $0x400, s13  }
0x2d: {  	[tilespmem:s16], [sflag:$0x1] =	stream.indirect_vreg.gather [hbm:s2], $0x80, v0, vm1, $0x38;
	[tilespmem:$0x10200] =	vst v63  }
0x2e: {  	s14 =	sadd.s32 $0x40, s14;
	v0 =	vld.msk [tilespmem:s15+$0x100 ss:$0x1], $0xffff  }
0x2f: {  	_ =	sdelay $0x3  }
0x30: {  	vm2 =	vgt.s32 v0, $0x0  }
0x31: {  	v0 =	vnsel vm2, $0x0, v0  }
0x32: {  	v0 =	vmin.u32 v0, $0x1FFF  }
0x33: {  	v0 =	vshll.u32 v0, $0x4;
	_ =	sdelay $0x3  }
0x34: {  	s13 =	sadd.s32 $0x800, s13  }
0x35: {  	[tilespmem:s13], [sflag:$0x1] =	stream.indirect_vreg.gather [hbm:s2], $0x80, v0, vm0, $0x38;
	[tilespmem:$0x10200] =	vst v63  }
0x36: {  	s13 =	sadd.s32 $0x400, s13  }
0x37: {  	[tilespmem:s13], [sflag:$0x1] =	stream.indirect_vreg.gather [hbm:s2], $0x80, v0, vm1, $0x38;
	[tilespmem:$0x10200] =	vst v63  }
0x38: {  	s12 =	sshll.u32 s12, $0x4;
	s14 =	simm.s32 $0x80;
	_ =	swait.ge [sflag:s4], $0x8000  }
0x39: {  	s15 =	simm.s32 $0x8600;
	s12 =	sadd.s32 s12, s7;
	[sflag:s4] =	ssyncset.done $0x0  }
0x3a: {  	s16 =	sadd.s32 $0x0, s12;
	s13 =	simm.s32 $0x8200;
	[sflag:s4] =	ssyncadd.s32 $0xFFFF8000  }
.LBB2_7:
0x3b: {  	[hbm:s16] =	stream.linear.scatter [tilespmem:s13], [sflag:$0x3], $0x400, $0x38;
	[tilespmem:$0x10200] =	vst v63  }
0x3c: {  	s16 =	smov.u32 s14;
	s13 =	smov.u32 s15;
	p0 =	sne.s32 s14, $0xF80  }
.Ltmp5:
0x3d: {  	s14 =	sadd.s32 $0x80, s14;
	(pc) =	sbr.rel @p0 .LBB2_7-.Ltmp5, $2  }
0x3e: {  	_ =	sdelay $0x2  }
0x3f: {  	s15 =	sadd.s32 $0x400, s15;
	s16 =	sadd.s32 s16, s12  }
.Ltmp6:
0x40: {  	(pc) =	sbr.rel .LBB2_9-.Ltmp6, $2  }
0x41: {  	_ =	sdelay $0x2  }
0x42: {  	[hbm:s16] =	stream.linear.scatter [tilespmem:s13], [sflag:$0x3], $0x400, $0x38;
	[tilespmem:$0x10200] =	vst v63  }
.LBB2_2:
.Ltmp7:
0x43: {  	(pc) =	sbr.rel .LBB2_10-.Ltmp7, $4  }
0x44: {  	_ = 	snop  }
0x45: {  	s12 =	sshrl.u32 s11, $0x3  }
0x46: {  	s13 =	sand.u32 $0x7, s11;
	s12 =	sadd.s32 s3, s12  }
0x47: {  	[tilespmem:s9], [sflag:$0x2] =	stream.linear.gather [hbm4b:s12+s13], $0x100, $0x38;
	[tilespmem:$0x10200] =	vst v63  }
.LBB2_11:
0x48: {  	s2 =	simm.s32 $0x3  }
0x49: {  	_ =	swait.ge [sflag:s2], $0x8000  }
0x4a: {  	[sflag:s2] =	ssyncset.done $0x0  }
0x4b: {  	[sflag:s2] =	ssyncadd.s32 $0xFFFF8000  }
0x4c: {  	_ =	sfence.sel $0x180000  }
0x4d: {  	s3 =	simm.s32 $0x2;
	[bflag:$0x0] =	sbarrier.arrive $0xFFFF  }
0x4e: {  	[sflag:s3] =	ssyncpa.u1 $0x1  }
0x4f: {  	s31 =	simm.s32 $0x1;
	[sflag:s2] =	ssyncpa.u1 $0x1  }
0x50: {  	[sflag:s31] =	ssyncpa.u1 $0x1  }
0x51: {  	p0 =	sne.s32 s1, $0x0;
	_ =	strace $0x9000004A  }
0x52: {  	s0 =	sadd.s32 @!p0 $0x100000, s0;
	[bflag:$0x2] =	sbarrier.arrive $0xFFFF  }
0x53: {  	[sflag:s0] =	ssyncadd.tile.s32 @!p0 $0x1;
	_ =	shalt  }
.Lfunc_end2:
_tile_overlayer_lowered:
.L_overlay_start_2:
0x54: {  	(tag) =	ssettag $0x2  }
0x55: {  	s0 =	rddreg [dreg:$0x0];
	s2 =	stileid.u32  }
0x56: {  	s1 =	rddreg [dreg:$0x1];
	p0 =	sne.s32 s2, $0x0  }
0x57: {  	s3 =	rddreg [dreg:$0x2];
	[bflag:$0x3] =	sbarrier.arrive $0xFFFF;
	s2 =	simm.s32 @!p0 $0x1C01  }
0x58: {  	[timem:s3], [sflag:s2] =	dma.local @!p0 [hbm:s0], s1  }
0x59: {  	s0 =	simm.s32 @!p0 $0x1  }
0x5a: {  	_ =	swait.ge @!p0 [sflag:s0], s1  }
0x5b: {  	s1 =	ssub.s32 @!p0 $0x0, s1;
	[sflag:s0] =	ssyncset.done @!p0 $0x0  }
0x5c: {  	[sflag:s0] =	ssyncadd.s32 @!p0 s1  }
0x5d: {  	[bflag:$0x3] =	sbarrier.arrive $0xFFFF  }
0x5e: {  	_ =	shalt  }

</sc_bundles>
